<compile_context>
chip_gen: v7x
topology: tpu7x:2x2x1
jax: 0.10.2.dev20260603
libtpu: 0.0.44.dev20260713+nightly
codegen_flags: <defaults>
</compile_context>

<pallas_src>
import jax
import jax.numpy as jnp
from jax import lax
from jax.experimental import pallas as pl
from jax.experimental.pallas import tpu as pltpu
from jax.experimental.pallas import tpu_sc as plsc

_B = 16384
_F = 26
_V = 1000000
_D = 13
_S = 1 << 20


_NC = 2
_NS = 16
_NW = _NC * _NS
_RPW = _B // _NW
_IPW = _RPW * _F
_DPW = _RPW * _D
_JCH = _RPW // 16


_CRT = 65536


def _retile_body(tab_ref, out_ref):
    out_ref[...] = tab_ref[...].reshape(_F, _CRT // 128, 128)


def _retile(tables):
    return pl.pallas_call(
        _retile_body,
        grid=(_V // _CRT + 1,),
        in_specs=[pl.BlockSpec((_F, _CRT), lambda j: (0, j))],
        out_specs=pl.BlockSpec((_F, _CRT // 128, 128), lambda j: (0, j, 0)),
        out_shape=jax.ShapeDtypeStruct((_F, _S // 128, 128), jnp.float32),
    )(tables)


def _tec_body(idxT_hbm, tab_hbm, denT_hbm, dk_hbm, out_hbm,
              flat_v, vals_v, den_v, dk_v, out_v, gsem, dsem):
    c = lax.axis_index("c")
    s = lax.axis_index("s")
    wid = s * _NC + c
    base = wid * _RPW

    icps = [
        pltpu.async_copy(idxT_hbm.at[pl.ds(f * _B + base, _RPW)],
                         flat_v.at[pl.ds(f * _RPW, _RPW)], gsem)
        for f in range(_F)
    ]
    dcps = [
        pltpu.async_copy(denT_hbm.at[pl.ds(d * _B + base, _RPW)],
                         den_v.at[pl.ds(d * _RPW, _RPW)], dsem)
        for d in range(_D)
    ]
    dcps.append(pltpu.async_copy(dk_hbm, dk_v, dsem))

    for cp in icps:
        cp.wait()

    def _off_body(j, carry):
        o = j * 16
        for f in range(1, _F):
            plsc.addupdate(flat_v.at[pl.ds(f * _RPW + o, 16)],
                           jnp.full((16,), f * _S, jnp.int32))
        return carry

    lax.fori_loop(0, _JCH, _off_body, 0)

    pltpu.async_copy(tab_hbm.at[flat_v], vals_v, gsem).wait()
    for cp in dcps:
        cp.wait()
    dkv = dk_v[pl.ds(0, 16)]

    def _red_body(j, carry):
        o = j * 16
        acc = vals_v[pl.ds(o, 16)]
        for f in range(1, _F):
            acc = acc + vals_v[pl.ds(f * _RPW + o, 16)]
        for d in range(_D):
            acc = acc + den_v[pl.ds(d * _RPW + o, 16)] * dkv[d]
        out_v[pl.ds(o, 16)] = acc
        return carry

    lax.fori_loop(0, _JCH, _red_body, 0)

    pltpu.sync_copy(out_v, out_hbm.at[pl.ds(base, _RPW)])


@jax.jit
def kernel(sparse_idx, dense, tables, dense_kernel):
    idxT = sparse_idx.T.reshape(_F * _B)
    denT = dense.T.reshape(_D * _B)
    tab_flat = _retile(tables).reshape(_F * _S)
    dk16 = jnp.pad(dense_kernel.reshape(_D), (0, 16 - _D))

    mesh = plsc.VectorSubcoreMesh(core_axis_name="c", subcore_axis_name="s")
    run = pl.kernel(
        _tec_body,
        out_type=jax.ShapeDtypeStruct((_B,), jnp.float32),
        mesh=mesh,
        scratch_types=[
            pltpu.VMEM((_IPW,), jnp.int32),
            pltpu.VMEM((_IPW,), jnp.float32),
            pltpu.VMEM((_DPW,), jnp.float32),
            pltpu.VMEM((16,), jnp.float32),
            pltpu.VMEM((_RPW,), jnp.float32),
            pltpu.SemaphoreType.DMA,
            pltpu.SemaphoreType.DMA,
        ],
    )
    out = run(idxT, tab_flat, denT, dk16)
    return out.reshape(_B, 1)

# --- scband reference (transcript-rebuilt; emitter-appended) ---
"""Pipeline reference for scband-linear-58506044506804 (READ-ONLY COPY).

The authoritative reference and input builder live on the scoring server;
editing this copy changes nothing except your own understanding.
"""

import jax, jax.numpy as jnp
import numpy as np

B = 16384
F = 26
V = 1000000
D = 13

def setup_inputs(seed: int = 0) -> dict:
    key = jax.random.key(seed)
    k1, k2, k3, k4 = jax.random.split(key, 4)
    sparse_idx = jax.random.randint(k1, (B, F), 0, V, dtype=jnp.int32)
    dense = jax.random.normal(k2, (B, D), dtype=jnp.float32)
    # per-field 1-dim embedding tables (the 'linear weights' of each sparse feature),
    # stacked as [F, V]; table f row v holds the scalar weight for field f value v.
    tables = jax.random.normal(k3, (F, V), dtype=jnp.float32) * 0.01
    dense_kernel = jax.random.normal(k4, (D, 1), dtype=jnp.float32) * 0.05
    return {"sparse_idx": sparse_idx, "dense": dense, "tables": tables, "dense_kernel": dense_kernel}

def reference(sparse_idx, dense, tables, dense_kernel):
    # per-field embedding lookup with embedding_dim=1:
    # emb[b, f] = tables[f, sparse_idx[b, f]]
    emb = jnp.take_along_axis(tables.T, sparse_idx, axis=0)  # [B, F]
    # concat over fields then reduce_sum axis=1 (keepdims to match dense logit)
    sparse_logit = jnp.sum(emb, axis=1, keepdims=True)  # [B, 1]
    # dense part: Dense(units=1, use_bias=False)
    dense_logit = dense @ dense_kernel  # [B, 1]
    logits = sparse_logit + dense_logit  # tf.add_n
    return logits

if __name__ == "__main__":
    import jax
    _d = setup_inputs()
    print(jax.jit(kernel)(*tuple(_d.values())))

</pallas_src>

<mosaic_0001>
#map = affine_map<(d0, d1) -> (0)>
module attributes {stable_mosaic.version = 14 : i64} {
  func.func @_tec_body(%arg0: i32, %arg1: i32, %arg2: memref<425984xi32, #tpu.memory_space<hbm>>, %arg3: memref<27262976xf32, #tpu.memory_space<hbm>>, %arg4: memref<212992xf32, #tpu.memory_space<hbm>>, %arg5: memref<16xf32, #tpu.memory_space<hbm>>, %arg6: memref<16384xf32, #tpu.memory_space<hbm>>, %arg7: memref<13312xi32, #tpu.memory_space<vmem>>, %arg8: memref<13312xf32, #tpu.memory_space<vmem>>, %arg9: memref<6656xf32, #tpu.memory_space<vmem>>, %arg10: memref<16xf32, #tpu.memory_space<vmem>>, %arg11: memref<512xf32, #tpu.memory_space<vmem>>, %arg12: memref<!tpu.dma_semaphore, #tpu.memory_space<semaphore_mem>>, %arg13: memref<!tpu.dma_semaphore, #tpu.memory_space<semaphore_mem>>) attributes {dimension_semantics = [#tpu.dimension_semantics<core_parallel>, #tpu.dimension_semantics<subcore_parallel>], iteration_bounds = array<i64: 2, 16>, scalar_prefetch = 0 : i64, scratch_operands = 7 : i64, tpu.core_type = #tpu.core_type<sc_vector_subcore>, window_params = [{transform_indices = #map}, {transform_indices = #map}, {transform_indices = #map}, {transform_indices = #map}, {transform_indices = #map}]} {
    %mul3A = arith.constant 2 : i32
    %mul3A_0 = arith.muli %arg1, %mul3A : i32
    %add3A = arith.addi %mul3A_0, %arg0 : i32
    %mul3A_1 = arith.constant 512 : i32
    %mul3A_2 = arith.muli %add3A, %mul3A_1 : i32
    %add3A_3 = arith.constant 0 : i32
    %add3A_4 = arith.addi %add3A_3, %mul3A_2 : i32
    %dma_start3A = arith.constant 0 : i32
    %dma_start3A_5 = tpu.memref_slice %arg7[%dma_start3A] : memref<13312xi32, #tpu.memory_space<vmem>> -> memref<512xi32, #tpu.memory_space<vmem>>
    %dma_start3A_6 = tpu.memref_slice %arg2[%add3A_4] : memref<425984xi32, #tpu.memory_space<hbm>> -> memref<512xi32, #tpu.memory_space<hbm>>
    %dma_start3A_7 = arith.constant 0 : i32
    %dma_start3A_8 = tpu.memref_slice %arg7[%dma_start3A_7] : memref<13312xi32, #tpu.memory_space<vmem>> -> memref<512xi32, #tpu.memory_space<vmem>>
    %dma_start3A_9 = tpu.memref_slice %arg2[%add3A_4] : memref<425984xi32, #tpu.memory_space<hbm>> -> memref<512xi32, #tpu.memory_space<hbm>>
    tpu.enqueue_dma source(%dma_start3A_9 : memref<512xi32, #tpu.memory_space<hbm>>) target(%dma_start3A_8 : memref<512xi32, #tpu.memory_space<vmem>>) target_semaphore(%arg12 : memref<!tpu.dma_semaphore, #tpu.memory_space<semaphore_mem>>)
    %add3A_10 = arith.constant 16384 : i32
    %add3A_11 = arith.addi %add3A_10, %mul3A_2 : i32
    %dma_start3A_12 = arith.constant 512 : i32
    %dma_start3A_13 = tpu.memref_slice %arg7[%dma_start3A_12] : memref<13312xi32, #tpu.memory_space<vmem>> -> memref<512xi32, #tpu.memory_space<vmem>>
    %dma_start3A_14 = tpu.memref_slice %arg2[%add3A_11] : memref<425984xi32, #tpu.memory_space<hbm>> -> memref<512xi32, #tpu.memory_space<hbm>>
    %dma_start3A_15 = arith.constant 512 : i32
    %dma_start3A_16 = tpu.memref_slice %arg7[%dma_start3A_15] : memref<13312xi32, #tpu.memory_space<vmem>> -> memref<512xi32, #tpu.memory_space<vmem>>
    %dma_start3A_17 = tpu.memref_slice %arg2[%add3A_11] : memref<425984xi32, #tpu.memory_space<hbm>> -> memref<512xi32, #tpu.memory_space<hbm>>
    tpu.enqueue_dma source(%dma_start3A_17 : memref<512xi32, #tpu.memory_space<hbm>>) target(%dma_start3A_16 : memref<512xi32, #tpu.memory_space<vmem>>) target_semaphore(%arg12 : memref<!tpu.dma_semaphore, #tpu.memory_space<semaphore_mem>>)
    %add3A_18 = arith.constant 32768 : i32
    %add3A_19 = arith.addi %add3A_18, %mul3A_2 : i32
    %dma_start3A_20 = arith.constant 1024 : i32
    %dma_start3A_21 = tpu.memref_slice %arg7[%dma_start3A_20] : memref<13312xi32, #tpu.memory_space<vmem>> -> memref<512xi32, #tpu.memory_space<vmem>>
    %dma_start3A_22 = tpu.memref_slice %arg2[%add3A_19] : memref<425984xi32, #tpu.memory_space<hbm>> -> memref<512xi32, #tpu.memory_space<hbm>>
    %dma_start3A_23 = arith.constant 1024 : i32
    %dma_start3A_24 = tpu.memref_slice %arg7[%dma_start3A_23] : memref<13312xi32, #tpu.memory_space<vmem>> -> memref<512xi32, #tpu.memory_space<vmem>>
    %dma_start3A_25 = tpu.memref_slice %arg2[%add3A_19] : memref<425984xi32, #tpu.memory_space<hbm>> -> memref<512xi32, #tpu.memory_space<hbm>>
    tpu.enqueue_dma source(%dma_start3A_25 : memref<512xi32, #tpu.memory_space<hbm>>) target(%dma_start3A_24 : memref<512xi32, #tpu.memory_space<vmem>>) target_semaphore(%arg12 : memref<!tpu.dma_semaphore, #tpu.memory_space<semaphore_mem>>)
    %add3A_26 = arith.constant 49152 : i32
    %add3A_27 = arith.addi %add3A_26, %mul3A_2 : i32
    %dma_start3A_28 = arith.constant 1536 : i32
    %dma_start3A_29 = tpu.memref_slice %arg7[%dma_start3A_28] : memref<13312xi32, #tpu.memory_space<vmem>> -> memref<512xi32, #tpu.memory_space<vmem>>
    %dma_start3A_30 = tpu.memref_slice %arg2[%add3A_27] : memref<425984xi32, #tpu.memory_space<hbm>> -> memref<512xi32, #tpu.memory_space<hbm>>
    %dma_start3A_31 = arith.constant 1536 : i32
    %dma_start3A_32 = tpu.memref_slice %arg7[%dma_start3A_31] : memref<13312xi32, #tpu.memory_space<vmem>> -> memref<512xi32, #tpu.memory_space<vmem>>
    %dma_start3A_33 = tpu.memref_slice %arg2[%add3A_27] : memref<425984xi32, #tpu.memory_space<hbm>> -> memref<512xi32, #tpu.memory_space<hbm>>
    tpu.enqueue_dma source(%dma_start3A_33 : memref<512xi32, #tpu.memory_space<hbm>>) target(%dma_start3A_32 : memref<512xi32, #tpu.memory_space<vmem>>) target_semaphore(%arg12 : memref<!tpu.dma_semaphore, #tpu.memory_space<semaphore_mem>>)
    %add3A_34 = arith.constant 65536 : i32
    %add3A_35 = arith.addi %add3A_34, %mul3A_2 : i32
    %dma_start3A_36 = arith.constant 2048 : i32
    %dma_start3A_37 = tpu.memref_slice %arg7[%dma_start3A_36] : memref<13312xi32, #tpu.memory_space<vmem>> -> memref<512xi32, #tpu.memory_space<vmem>>
    %dma_start3A_38 = tpu.memref_slice %arg2[%add3A_35] : memref<425984xi32, #tpu.memory_space<hbm>> -> memref<512xi32, #tpu.memory_space<hbm>>
    %dma_start3A_39 = arith.constant 2048 : i32
    %dma_start3A_40 = tpu.memref_slice %arg7[%dma_start3A_39] : memref<13312xi32, #tpu.memory_space<vmem>> -> memref<512xi32, #tpu.memory_space<vmem>>
    %dma_start3A_41 = tpu.memref_slice %arg2[%add3A_35] : memref<425984xi32, #tpu.memory_space<hbm>> -> memref<512xi32, #tpu.memory_space<hbm>>
    tpu.enqueue_dma source(%dma_start3A_41 : memref<512xi32, #tpu.memory_space<hbm>>) target(%dma_start3A_40 : memref<512xi32, #tpu.memory_space<vmem>>) target_semaphore(%arg12 : memref<!tpu.dma_semaphore, #tpu.memory_space<semaphore_mem>>)
    %add3A_42 = arith.constant 81920 : i32
    %add3A_43 = arith.addi %add3A_42, %mul3A_2 : i32
    %dma_start3A_44 = arith.constant 2560 : i32
    %dma_start3A_45 = tpu.memref_slice %arg7[%dma_start3A_44] : memref<13312xi32, #tpu.memory_space<vmem>> -> memref<512xi32, #tpu.memory_space<vmem>>
    %dma_start3A_46 = tpu.memref_slice %arg2[%add3A_43] : memref<425984xi32, #tpu.memory_space<hbm>> -> memref<512xi32, #tpu.memory_space<hbm>>
    %dma_start3A_47 = arith.constant 2560 : i32
    %dma_start3A_48 = tpu.memref_slice %arg7[%dma_start3A_47] : memref<13312xi32, #tpu.memory_space<vmem>> -> memref<512xi32, #tpu.memory_space<vmem>>
    %dma_start3A_49 = tpu.memref_slice %arg2[%add3A_43] : memref<425984xi32, #tpu.memory_space<hbm>> -> memref<512xi32, #tpu.memory_space<hbm>>
    tpu.enqueue_dma source(%dma_start3A_49 : memref<512xi32, #tpu.memory_space<hbm>>) target(%dma_start3A_48 : memref<512xi32, #tpu.memory_space<vmem>>) target_semaphore(%arg12 : memref<!tpu.dma_semaphore, #tpu.memory_space<semaphore_mem>>)
    %add3A_50 = arith.constant 98304 : i32
    %add3A_51 = arith.addi %add3A_50, %mul3A_2 : i32
    %dma_start3A_52 = arith.constant 3072 : i32
    %dma_start3A_53 = tpu.memref_slice %arg7[%dma_start3A_52] : memref<13312xi32, #tpu.memory_space<vmem>> -> memref<512xi32, #tpu.memory_space<vmem>>
    %dma_start3A_54 = tpu.memref_slice %arg2[%add3A_51] : memref<425984xi32, #tpu.memory_space<hbm>> -> memref<512xi32, #tpu.memory_space<hbm>>
    %dma_start3A_55 = arith.constant 3072 : i32
    %dma_start3A_56 = tpu.memref_slice %arg7[%dma_start3A_55] : memref<13312xi32, #tpu.memory_space<vmem>> -> memref<512xi32, #tpu.memory_space<vmem>>
    %dma_start3A_57 = tpu.memref_slice %arg2[%add3A_51] : memref<425984xi32, #tpu.memory_space<hbm>> -> memref<512xi32, #tpu.memory_space<hbm>>
    tpu.enqueue_dma source(%dma_start3A_57 : memref<512xi32, #tpu.memory_space<hbm>>) target(%dma_start3A_56 : memref<512xi32, #tpu.memory_space<vmem>>) target_semaphore(%arg12 : memref<!tpu.dma_semaphore, #tpu.memory_space<semaphore_mem>>)
    %add3A_58 = arith.constant 114688 : i32
    %add3A_59 = arith.addi %add3A_58, %mul3A_2 : i32
    %dma_start3A_60 = arith.constant 3584 : i32
    %dma_start3A_61 = tpu.memref_slice %arg7[%dma_start3A_60] : memref<13312xi32, #tpu.memory_space<vmem>> -> memref<512xi32, #tpu.memory_space<vmem>>
    %dma_start3A_62 = tpu.memref_slice %arg2[%add3A_59] : memref<425984xi32, #tpu.memory_space<hbm>> -> memref<512xi32, #tpu.memory_space<hbm>>
    %dma_start3A_63 = arith.constant 3584 : i32
    %dma_start3A_64 = tpu.memref_slice %arg7[%dma_start3A_63] : memref<13312xi32, #tpu.memory_space<vmem>> -> memref<512xi32, #tpu.memory_space<vmem>>
    %dma_start3A_65 = tpu.memref_slice %arg2[%add3A_59] : memref<425984xi32, #tpu.memory_space<hbm>> -> memref<512xi32, #tpu.memory_space<hbm>>
    tpu.enqueue_dma source(%dma_start3A_65 : memref<512xi32, #tpu.memory_space<hbm>>) target(%dma_start3A_64 : memref<512xi32, #tpu.memory_space<vmem>>) target_semaphore(%arg12 : memref<!tpu.dma_semaphore, #tpu.memory_space<semaphore_mem>>)
    %add3A_66 = arith.constant 131072 : i32
    %add3A_67 = arith.addi %add3A_66, %mul3A_2 : i32
    %dma_start3A_68 = arith.constant 4096 : i32
    %dma_start3A_69 = tpu.memref_slice %arg7[%dma_start3A_68] : memref<13312xi32, #tpu.memory_space<vmem>> -> memref<512xi32, #tpu.memory_space<vmem>>
    %dma_start3A_70 = tpu.memref_slice %arg2[%add3A_67] : memref<425984xi32, #tpu.memory_space<hbm>> -> memref<512xi32, #tpu.memory_space<hbm>>
    %dma_start3A_71 = arith.constant 4096 : i32
    %dma_start3A_72 = tpu.memref_slice %arg7[%dma_start3A_71] : memref<13312xi32, #tpu.memory_space<vmem>> -> memref<512xi32, #tpu.memory_space<vmem>>
    %dma_start3A_73 = tpu.memref_slice %arg2[%add3A_67] : memref<425984xi32, #tpu.memory_space<hbm>> -> memref<512xi32, #tpu.memory_space<hbm>>
    tpu.enqueue_dma source(%dma_start3A_73 : memref<512xi32, #tpu.memory_space<hbm>>) target(%dma_start3A_72 : memref<512xi32, #tpu.memory_space<vmem>>) target_semaphore(%arg12 : memref<!tpu.dma_semaphore, #tpu.memory_space<semaphore_mem>>)
    %add3A_74 = arith.constant 147456 : i32
    %add3A_75 = arith.addi %add3A_74, %mul3A_2 : i32
    %dma_start3A_76 = arith.constant 4608 : i32
    %dma_start3A_77 = tpu.memref_slice %arg7[%dma_start3A_76] : memref<13312xi32, #tpu.memory_space<vmem>> -> memref<512xi32, #tpu.memory_space<vmem>>
    %dma_start3A_78 = tpu.memref_slice %arg2[%add3A_75] : memref<425984xi32, #tpu.memory_space<hbm>> -> memref<512xi32, #tpu.memory_space<hbm>>
    %dma_start3A_79 = arith.constant 4608 : i32
    %dma_start3A_80 = tpu.memref_slice %arg7[%dma_start3A_79] : memref<13312xi32, #tpu.memory_space<vmem>> -> memref<512xi32, #tpu.memory_space<vmem>>
    %dma_start3A_81 = tpu.memref_slice %arg2[%add3A_75] : memref<425984xi32, #tpu.memory_space<hbm>> -> memref<512xi32, #tpu.memory_space<hbm>>
    tpu.enqueue_dma source(%dma_start3A_81 : memref<512xi32, #tpu.memory_space<hbm>>) target(%dma_start3A_80 : memref<512xi32, #tpu.memory_space<vmem>>) target_semaphore(%arg12 : memref<!tpu.dma_semaphore, #tpu.memory_space<semaphore_mem>>)
    %add3A_82 = arith.constant 163840 : i32
    %add3A_83 = arith.addi %add3A_82, %mul3A_2 : i32
    %dma_start3A_84 = arith.constant 5120 : i32
    %dma_start3A_85 = tpu.memref_slice %arg7[%dma_start3A_84] : memref<13312xi32, #tpu.memory_space<vmem>> -> memref<512xi32, #tpu.memory_space<vmem>>
    %dma_start3A_86 = tpu.memref_slice %arg2[%add3A_83] : memref<425984xi32, #tpu.memory_space<hbm>> -> memref<512xi32, #tpu.memory_space<hbm>>
    %dma_start3A_87 = arith.constant 5120 : i32
    %dma_start3A_88 = tpu.memref_slice %arg7[%dma_start3A_87] : memref<13312xi32, #tpu.memory_space<vmem>> -> memref<512xi32, #tpu.memory_space<vmem>>
    %dma_start3A_89 = tpu.memref_slice %arg2[%add3A_83] : memref<425984xi32, #tpu.memory_space<hbm>> -> memref<512xi32, #tpu.memory_space<hbm>>
    tpu.enqueue_dma source(%dma_start3A_89 : memref<512xi32, #tpu.memory_space<hbm>>) target(%dma_start3A_88 : memref<512xi32, #tpu.memory_space<vmem>>) target_semaphore(%arg12 : memref<!tpu.dma_semaphore, #tpu.memory_space<semaphore_mem>>)
    %add3A_90 = arith.constant 180224 : i32
    %add3A_91 = arith.addi %add3A_90, %mul3A_2 : i32
    %dma_start3A_92 = arith.constant 5632 : i32
    %dma_start3A_93 = tpu.memref_slice %arg7[%dma_start3A_92] : memref<13312xi32, #tpu.memory_space<vmem>> -> memref<512xi32, #tpu.memory_space<vmem>>
    %dma_start3A_94 = tpu.memref_slice %arg2[%add3A_91] : memref<425984xi32, #tpu.memory_space<hbm>> -> memref<512xi32, #tpu.memory_space<hbm>>
    %dma_start3A_95 = arith.constant 5632 : i32
    %dma_start3A_96 = tpu.memref_slice %arg7[%dma_start3A_95] : memref<13312xi32, #tpu.memory_space<vmem>> -> memref<512xi32, #tpu.memory_space<vmem>>
    %dma_start3A_97 = tpu.memref_slice %arg2[%add3A_91] : memref<425984xi32, #tpu.memory_space<hbm>> -> memref<512xi32, #tpu.memory_space<hbm>>
    tpu.enqueue_dma source(%dma_start3A_97 : memref<512xi32, #tpu.memory_space<hbm>>) target(%dma_start3A_96 : memref<512xi32, #tpu.memory_space<vmem>>) target_semaphore(%arg12 : memref<!tpu.dma_semaphore, #tpu.memory_space<semaphore_mem>>)
    %add3A_98 = arith.constant 196608 : i32
    %add3A_99 = arith.addi %add3A_98, %mul3A_2 : i32
    %dma_start3A_100 = arith.constant 6144 : i32
    %dma_start3A_101 = tpu.memref_slice %arg7[%dma_start3A_100] : memref<13312xi32, #tpu.memory_space<vmem>> -> memref<512xi32, #tpu.memory_space<vmem>>
    %dma_start3A_102 = tpu.memref_slice %arg2[%add3A_99] : memref<425984xi32, #tpu.memory_space<hbm>> -> memref<512xi32, #tpu.memory_space<hbm>>
    %dma_start3A_103 = arith.constant 6144 : i32
    %dma_start3A_104 = tpu.memref_slice %arg7[%dma_start3A_103] : memref<13312xi32, #tpu.memory_space<vmem>> -> memref<512xi32, #tpu.memory_space<vmem>>
    %dma_start3A_105 = tpu.memref_slice %arg2[%add3A_99] : memref<425984xi32, #tpu.memory_space<hbm>> -> memref<512xi32, #tpu.memory_space<hbm>>
    tpu.enqueue_dma source(%dma_start3A_105 : memref<512xi32, #tpu.memory_space<hbm>>) target(%dma_start3A_104 : memref<512xi32, #tpu.memory_space<vmem>>) target_semaphore(%arg12 : memref<!tpu.dma_semaphore, #tpu.memory_space<semaphore_mem>>)
    %add3A_106 = arith.constant 212992 : i32
    %add3A_107 = arith.addi %add3A_106, %mul3A_2 : i32
    %dma_start3A_108 = arith.constant 6656 : i32
    %dma_start3A_109 = tpu.memref_slice %arg7[%dma_start3A_108] : memref<13312xi32, #tpu.memory_space<vmem>> -> memref<512xi32, #tpu.memory_space<vmem>>
    %dma_start3A_110 = tpu.memref_slice %arg2[%add3A_107] : memref<425984xi32, #tpu.memory_space<hbm>> -> memref<512xi32, #tpu.memory_space<hbm>>
    %dma_start3A_111 = arith.constant 6656 : i32
    %dma_start3A_112 = tpu.memref_slice %arg7[%dma_start3A_111] : memref<13312xi32, #tpu.memory_space<vmem>> -> memref<512xi32, #tpu.memory_space<vmem>>
    %dma_start3A_113 = tpu.memref_slice %arg2[%add3A_107] : memref<425984xi32, #tpu.memory_space<hbm>> -> memref<512xi32, #tpu.memory_space<hbm>>
    tpu.enqueue_dma source(%dma_start3A_113 : memref<512xi32, #tpu.memory_space<hbm>>) target(%dma_start3A_112 : memref<512xi32, #tpu.memory_space<vmem>>) target_semaphore(%arg12 : memref<!tpu.dma_semaphore, #tpu.memory_space<semaphore_mem>>)
    %add3A_114 = arith.constant 229376 : i32
    %add3A_115 = arith.addi %add3A_114, %mul3A_2 : i32
    %dma_start3A_116 = arith.constant 7168 : i32
    %dma_start3A_117 = tpu.memref_slice %arg7[%dma_start3A_116] : memref<13312xi32, #tpu.memory_space<vmem>> -> memref<512xi32, #tpu.memory_space<vmem>>
    %dma_start3A_118 = tpu.memref_slice %arg2[%add3A_115] : memref<425984xi32, #tpu.memory_space<hbm>> -> memref<512xi32, #tpu.memory_space<hbm>>
    %dma_start3A_119 = arith.constant 7168 : i32
    %dma_start3A_120 = tpu.memref_slice %arg7[%dma_start3A_119] : memref<13312xi32, #tpu.memory_space<vmem>> -> memref<512xi32, #tpu.memory_space<vmem>>
    %dma_start3A_121 = tpu.memref_slice %arg2[%add3A_115] : memref<425984xi32, #tpu.memory_space<hbm>> -> memref<512xi32, #tpu.memory_space<hbm>>
    tpu.enqueue_dma source(%dma_start3A_121 : memref<512xi32, #tpu.memory_space<hbm>>) target(%dma_start3A_120 : memref<512xi32, #tpu.memory_space<vmem>>) target_semaphore(%arg12 : memref<!tpu.dma_semaphore, #tpu.memory_space<semaphore_mem>>)
    %add3A_122 = arith.constant 245760 : i32
    %add3A_123 = arith.addi %add3A_122, %mul3A_2 : i32
    %dma_start3A_124 = arith.constant 7680 : i32
    %dma_start3A_125 = tpu.memref_slice %arg7[%dma_start3A_124] : memref<13312xi32, #tpu.memory_space<vmem>> -> memref<512xi32, #tpu.memory_space<vmem>>
    %dma_start3A_126 = tpu.memref_slice %arg2[%add3A_123] : memref<425984xi32, #tpu.memory_space<hbm>> -> memref<512xi32, #tpu.memory_space<hbm>>
    %dma_start3A_127 = arith.constant 7680 : i32
    %dma_start3A_128 = tpu.memref_slice %arg7[%dma_start3A_127] : memref<13312xi32, #tpu.memory_space<vmem>> -> memref<512xi32, #tpu.memory_space<vmem>>
    %dma_start3A_129 = tpu.memref_slice %arg2[%add3A_123] : memref<425984xi32, #tpu.memory_space<hbm>> -> memref<512xi32, #tpu.memory_space<hbm>>
    tpu.enqueue_dma source(%dma_start3A_129 : memref<512xi32, #tpu.memory_space<hbm>>) target(%dma_start3A_128 : memref<512xi32, #tpu.memory_space<vmem>>) target_semaphore(%arg12 : memref<!tpu.dma_semaphore, #tpu.memory_space<semaphore_mem>>)
    %add3A_130 = arith.constant 262144 : i32
    %add3A_131 = arith.addi %add3A_130, %mul3A_2 : i32
    %dma_start3A_132 = arith.constant 8192 : i32
    %dma_start3A_133 = tpu.memref_slice %arg7[%dma_start3A_132] : memref<13312xi32, #tpu.memory_space<vmem>> -> memref<512xi32, #tpu.memory_space<vmem>>
    %dma_start3A_134 = tpu.memref_slice %arg2[%add3A_131] : memref<425984xi32, #tpu.memory_space<hbm>> -> memref<512xi32, #tpu.memory_space<hbm>>
    %dma_start3A_135 = arith.constant 8192 : i32
    %dma_start3A_136 = tpu.memref_slice %arg7[%dma_start3A_135] : memref<13312xi32, #tpu.memory_space<vmem>> -> memref<512xi32, #tpu.memory_space<vmem>>
    %dma_start3A_137 = tpu.memref_slice %arg2[%add3A_131] : memref<425984xi32, #tpu.memory_space<hbm>> -> memref<512xi32, #tpu.memory_space<hbm>>
    tpu.enqueue_dma source(%dma_start3A_137 : memref<512xi32, #tpu.memory_space<hbm>>) target(%dma_start3A_136 : memref<512xi32, #tpu.memory_space<vmem>>) target_semaphore(%arg12 : memref<!tpu.dma_semaphore, #tpu.memory_space<semaphore_mem>>)
    %add3A_138 = arith.constant 278528 : i32
    %add3A_139 = arith.addi %add3A_138, %mul3A_2 : i32
    %dma_start3A_140 = arith.constant 8704 : i32
    %dma_start3A_141 = tpu.memref_slice %arg7[%dma_start3A_140] : memref<13312xi32, #tpu.memory_space<vmem>> -> memref<512xi32, #tpu.memory_space<vmem>>
    %dma_start3A_142 = tpu.memref_slice %arg2[%add3A_139] : memref<425984xi32, #tpu.memory_space<hbm>> -> memref<512xi32, #tpu.memory_space<hbm>>
    %dma_start3A_143 = arith.constant 8704 : i32
    %dma_start3A_144 = tpu.memref_slice %arg7[%dma_start3A_143] : memref<13312xi32, #tpu.memory_space<vmem>> -> memref<512xi32, #tpu.memory_space<vmem>>
    %dma_start3A_145 = tpu.memref_slice %arg2[%add3A_139] : memref<425984xi32, #tpu.memory_space<hbm>> -> memref<512xi32, #tpu.memory_space<hbm>>
    tpu.enqueue_dma source(%dma_start3A_145 : memref<512xi32, #tpu.memory_space<hbm>>) target(%dma_start3A_144 : memref<512xi32, #tpu.memory_space<vmem>>) target_semaphore(%arg12 : memref<!tpu.dma_semaphore, #tpu.memory_space<semaphore_mem>>)
    %add3A_146 = arith.constant 294912 : i32
    %add3A_147 = arith.addi %add3A_146, %mul3A_2 : i32
    %dma_start3A_148 = arith.constant 9216 : i32
    %dma_start3A_149 = tpu.memref_slice %arg7[%dma_start3A_148] : memref<13312xi32, #tpu.memory_space<vmem>> -> memref<512xi32, #tpu.memory_space<vmem>>
    %dma_start3A_150 = tpu.memref_slice %arg2[%add3A_147] : memref<425984xi32, #tpu.memory_space<hbm>> -> memref<512xi32, #tpu.memory_space<hbm>>
    %dma_start3A_151 = arith.constant 9216 : i32
    %dma_start3A_152 = tpu.memref_slice %arg7[%dma_start3A_151] : memref<13312xi32, #tpu.memory_space<vmem>> -> memref<512xi32, #tpu.memory_space<vmem>>
    %dma_start3A_153 = tpu.memref_slice %arg2[%add3A_147] : memref<425984xi32, #tpu.memory_space<hbm>> -> memref<512xi32, #tpu.memory_space<hbm>>
    tpu.enqueue_dma source(%dma_start3A_153 : memref<512xi32, #tpu.memory_space<hbm>>) target(%dma_start3A_152 : memref<512xi32, #tpu.memory_space<vmem>>) target_semaphore(%arg12 : memref<!tpu.dma_semaphore, #tpu.memory_space<semaphore_mem>>)
    %add3A_154 = arith.constant 311296 : i32
    %add3A_155 = arith.addi %add3A_154, %mul3A_2 : i32
    %dma_start3A_156 = arith.constant 9728 : i32
    %dma_start3A_157 = tpu.memref_slice %arg7[%dma_start3A_156] : memref<13312xi32, #tpu.memory_space<vmem>> -> memref<512xi32, #tpu.memory_space<vmem>>
    %dma_start3A_158 = tpu.memref_slice %arg2[%add3A_155] : memref<425984xi32, #tpu.memory_space<hbm>> -> memref<512xi32, #tpu.memory_space<hbm>>
    %dma_start3A_159 = arith.constant 9728 : i32
    %dma_start3A_160 = tpu.memref_slice %arg7[%dma_start3A_159] : memref<13312xi32, #tpu.memory_space<vmem>> -> memref<512xi32, #tpu.memory_space<vmem>>
    %dma_start3A_161 = tpu.memref_slice %arg2[%add3A_155] : memref<425984xi32, #tpu.memory_space<hbm>> -> memref<512xi32, #tpu.memory_space<hbm>>
    tpu.enqueue_dma source(%dma_start3A_161 : memref<512xi32, #tpu.memory_space<hbm>>) target(%dma_start3A_160 : memref<512xi32, #tpu.memory_space<vmem>>) target_semaphore(%arg12 : memref<!tpu.dma_semaphore, #tpu.memory_space<semaphore_mem>>)
    %add3A_162 = arith.constant 327680 : i32
    %add3A_163 = arith.addi %add3A_162, %mul3A_2 : i32
    %dma_start3A_164 = arith.constant 10240 : i32
    %dma_start3A_165 = tpu.memref_slice %arg7[%dma_start3A_164] : memref<13312xi32, #tpu.memory_space<vmem>> -> memref<512xi32, #tpu.memory_space<vmem>>
    %dma_start3A_166 = tpu.memref_slice %arg2[%add3A_163] : memref<425984xi32, #tpu.memory_space<hbm>> -> memref<512xi32, #tpu.memory_space<hbm>>
    %dma_start3A_167 = arith.constant 10240 : i32
    %dma_start3A_168 = tpu.memref_slice %arg7[%dma_start3A_167] : memref<13312xi32, #tpu.memory_space<vmem>> -> memref<512xi32, #tpu.memory_space<vmem>>
    %dma_start3A_169 = tpu.memref_slice %arg2[%add3A_163] : memref<425984xi32, #tpu.memory_space<hbm>> -> memref<512xi32, #tpu.memory_space<hbm>>
    tpu.enqueue_dma source(%dma_start3A_169 : memref<512xi32, #tpu.memory_space<hbm>>) target(%dma_start3A_168 : memref<512xi32, #tpu.memory_space<vmem>>) target_semaphore(%arg12 : memref<!tpu.dma_semaphore, #tpu.memory_space<semaphore_mem>>)
    %add3A_170 = arith.constant 344064 : i32
    %add3A_171 = arith.addi %add3A_170, %mul3A_2 : i32
    %dma_start3A_172 = arith.constant 10752 : i32
    %dma_start3A_173 = tpu.memref_slice %arg7[%dma_start3A_172] : memref<13312xi32, #tpu.memory_space<vmem>> -> memref<512xi32, #tpu.memory_space<vmem>>
    %dma_start3A_174 = tpu.memref_slice %arg2[%add3A_171] : memref<425984xi32, #tpu.memory_space<hbm>> -> memref<512xi32, #tpu.memory_space<hbm>>
    %dma_start3A_175 = arith.constant 10752 : i32
    %dma_start3A_176 = tpu.memref_slice %arg7[%dma_start3A_175] : memref<13312xi32, #tpu.memory_space<vmem>> -> memref<512xi32, #tpu.memory_space<vmem>>
    %dma_start3A_177 = tpu.memref_slice %arg2[%add3A_171] : memref<425984xi32, #tpu.memory_space<hbm>> -> memref<512xi32, #tpu.memory_space<hbm>>
    tpu.enqueue_dma source(%dma_start3A_177 : memref<512xi32, #tpu.memory_space<hbm>>) target(%dma_start3A_176 : memref<512xi32, #tpu.memory_space<vmem>>) target_semaphore(%arg12 : memref<!tpu.dma_semaphore, #tpu.memory_space<semaphore_mem>>)
    %add3A_178 = arith.constant 360448 : i32
    %add3A_179 = arith.addi %add3A_178, %mul3A_2 : i32
    %dma_start3A_180 = arith.constant 11264 : i32
    %dma_start3A_181 = tpu.memref_slice %arg7[%dma_start3A_180] : memref<13312xi32, #tpu.memory_space<vmem>> -> memref<512xi32, #tpu.memory_space<vmem>>
    %dma_start3A_182 = tpu.memref_slice %arg2[%add3A_179] : memref<425984xi32, #tpu.memory_space<hbm>> -> memref<512xi32, #tpu.memory_space<hbm>>
    %dma_start3A_183 = arith.constant 11264 : i32
    %dma_start3A_184 = tpu.memref_slice %arg7[%dma_start3A_183] : memref<13312xi32, #tpu.memory_space<vmem>> -> memref<512xi32, #tpu.memory_space<vmem>>
    %dma_start3A_185 = tpu.memref_slice %arg2[%add3A_179] : memref<425984xi32, #tpu.memory_space<hbm>> -> memref<512xi32, #tpu.memory_space<hbm>>
    tpu.enqueue_dma source(%dma_start3A_185 : memref<512xi32, #tpu.memory_space<hbm>>) target(%dma_start3A_184 : memref<512xi32, #tpu.memory_space<vmem>>) target_semaphore(%arg12 : memref<!tpu.dma_semaphore, #tpu.memory_space<semaphore_mem>>)
    %add3A_186 = arith.constant 376832 : i32
    %add3A_187 = arith.addi %add3A_186, %mul3A_2 : i32
    %dma_start3A_188 = arith.constant 11776 : i32
    %dma_start3A_189 = tpu.memref_slice %arg7[%dma_start3A_188] : memref<13312xi32, #tpu.memory_space<vmem>> -> memref<512xi32, #tpu.memory_space<vmem>>
    %dma_start3A_190 = tpu.memref_slice %arg2[%add3A_187] : memref<425984xi32, #tpu.memory_space<hbm>> -> memref<512xi32, #tpu.memory_space<hbm>>
    %dma_start3A_191 = arith.constant 11776 : i32
    %dma_start3A_192 = tpu.memref_slice %arg7[%dma_start3A_191] : memref<13312xi32, #tpu.memory_space<vmem>> -> memref<512xi32, #tpu.memory_space<vmem>>
    %dma_start3A_193 = tpu.memref_slice %arg2[%add3A_187] : memref<425984xi32, #tpu.memory_space<hbm>> -> memref<512xi32, #tpu.memory_space<hbm>>
    tpu.enqueue_dma source(%dma_start3A_193 : memref<512xi32, #tpu.memory_space<hbm>>) target(%dma_start3A_192 : memref<512xi32, #tpu.memory_space<vmem>>) target_semaphore(%arg12 : memref<!tpu.dma_semaphore, #tpu.memory_space<semaphore_mem>>)
    %add3A_194 = arith.constant 393216 : i32
    %add3A_195 = arith.addi %add3A_194, %mul3A_2 : i32
    %dma_start3A_196 = arith.constant 12288 : i32
    %dma_start3A_197 = tpu.memref_slice %arg7[%dma_start3A_196] : memref<13312xi32, #tpu.memory_space<vmem>> -> memref<512xi32, #tpu.memory_space<vmem>>
    %dma_start3A_198 = tpu.memref_slice %arg2[%add3A_195] : memref<425984xi32, #tpu.memory_space<hbm>> -> memref<512xi32, #tpu.memory_space<hbm>>
    %dma_start3A_199 = arith.constant 12288 : i32
    %dma_start3A_200 = tpu.memref_slice %arg7[%dma_start3A_199] : memref<13312xi32, #tpu.memory_space<vmem>> -> memref<512xi32, #tpu.memory_space<vmem>>
    %dma_start3A_201 = tpu.memref_slice %arg2[%add3A_195] : memref<425984xi32, #tpu.memory_space<hbm>> -> memref<512xi32, #tpu.memory_space<hbm>>
    tpu.enqueue_dma source(%dma_start3A_201 : memref<512xi32, #tpu.memory_space<hbm>>) target(%dma_start3A_200 : memref<512xi32, #tpu.memory_space<vmem>>) target_semaphore(%arg12 : memref<!tpu.dma_semaphore, #tpu.memory_space<semaphore_mem>>)
    %add3A_202 = arith.constant 409600 : i32
    %add3A_203 = arith.addi %add3A_202, %mul3A_2 : i32
    %dma_start3A_204 = arith.constant 12800 : i32
    %dma_start3A_205 = tpu.memref_slice %arg7[%dma_start3A_204] : memref<13312xi32, #tpu.memory_space<vmem>> -> memref<512xi32, #tpu.memory_space<vmem>>
    %dma_start3A_206 = tpu.memref_slice %arg2[%add3A_203] : memref<425984xi32, #tpu.memory_space<hbm>> -> memref<512xi32, #tpu.memory_space<hbm>>
    %dma_start3A_207 = arith.constant 12800 : i32
    %dma_start3A_208 = tpu.memref_slice %arg7[%dma_start3A_207] : memref<13312xi32, #tpu.memory_space<vmem>> -> memref<512xi32, #tpu.memory_space<vmem>>
    %dma_start3A_209 = tpu.memref_slice %arg2[%add3A_203] : memref<425984xi32, #tpu.memory_space<hbm>> -> memref<512xi32, #tpu.memory_space<hbm>>
    tpu.enqueue_dma source(%dma_start3A_209 : memref<512xi32, #tpu.memory_space<hbm>>) target(%dma_start3A_208 : memref<512xi32, #tpu.memory_space<vmem>>) target_semaphore(%arg12 : memref<!tpu.dma_semaphore, #tpu.memory_space<semaphore_mem>>)
    %add3A_210 = arith.constant 0 : i32
    %add3A_211 = arith.addi %add3A_210, %mul3A_2 : i32
    %dma_start3A_212 = arith.constant 0 : i32
    %dma_start3A_213 = tpu.memref_slice %arg9[%dma_start3A_212] : memref<6656xf32, #tpu.memory_space<vmem>> -> memref<512xf32, #tpu.memory_space<vmem>>
    %dma_start3A_214 = tpu.memref_slice %arg4[%add3A_211] : memref<212992xf32, #tpu.memory_space<hbm>> -> memref<512xf32, #tpu.memory_space<hbm>>
    %dma_start3A_215 = arith.constant 0 : i32
    %dma_start3A_216 = tpu.memref_slice %arg9[%dma_start3A_215] : memref<6656xf32, #tpu.memory_space<vmem>> -> memref<512xf32, #tpu.memory_space<vmem>>
    %dma_start3A_217 = tpu.memref_slice %arg4[%add3A_211] : memref<212992xf32, #tpu.memory_space<hbm>> -> memref<512xf32, #tpu.memory_space<hbm>>
    tpu.enqueue_dma source(%dma_start3A_217 : memref<512xf32, #tpu.memory_space<hbm>>) target(%dma_start3A_216 : memref<512xf32, #tpu.memory_space<vmem>>) target_semaphore(%arg13 : memref<!tpu.dma_semaphore, #tpu.memory_space<semaphore_mem>>)
    %add3A_218 = arith.constant 16384 : i32
    %add3A_219 = arith.addi %add3A_218, %mul3A_2 : i32
    %dma_start3A_220 = arith.constant 512 : i32
    %dma_start3A_221 = tpu.memref_slice %arg9[%dma_start3A_220] : memref<6656xf32, #tpu.memory_space<vmem>> -> memref<512xf32, #tpu.memory_space<vmem>>
    %dma_start3A_222 = tpu.memref_slice %arg4[%add3A_219] : memref<212992xf32, #tpu.memory_space<hbm>> -> memref<512xf32, #tpu.memory_space<hbm>>
    %dma_start3A_223 = arith.constant 512 : i32
    %dma_start3A_224 = tpu.memref_slice %arg9[%dma_start3A_223] : memref<6656xf32, #tpu.memory_space<vmem>> -> memref<512xf32, #tpu.memory_space<vmem>>
    %dma_start3A_225 = tpu.memref_slice %arg4[%add3A_219] : memref<212992xf32, #tpu.memory_space<hbm>> -> memref<512xf32, #tpu.memory_space<hbm>>
    tpu.enqueue_dma source(%dma_start3A_225 : memref<512xf32, #tpu.memory_space<hbm>>) target(%dma_start3A_224 : memref<512xf32, #tpu.memory_space<vmem>>) target_semaphore(%arg13 : memref<!tpu.dma_semaphore, #tpu.memory_space<semaphore_mem>>)
    %add3A_226 = arith.constant 32768 : i32
    %add3A_227 = arith.addi %add3A_226, %mul3A_2 : i32
    %dma_start3A_228 = arith.constant 1024 : i32
    %dma_start3A_229 = tpu.memref_slice %arg9[%dma_start3A_228] : memref<6656xf32, #tpu.memory_space<vmem>> -> memref<512xf32, #tpu.memory_space<vmem>>
    %dma_start3A_230 = tpu.memref_slice %arg4[%add3A_227] : memref<212992xf32, #tpu.memory_space<hbm>> -> memref<512xf32, #tpu.memory_space<hbm>>
    %dma_start3A_231 = arith.constant 1024 : i32
    %dma_start3A_232 = tpu.memref_slice %arg9[%dma_start3A_231] : memref<6656xf32, #tpu.memory_space<vmem>> -> memref<512xf32, #tpu.memory_space<vmem>>
    %dma_start3A_233 = tpu.memref_slice %arg4[%add3A_227] : memref<212992xf32, #tpu.memory_space<hbm>> -> memref<512xf32, #tpu.memory_space<hbm>>
    tpu.enqueue_dma source(%dma_start3A_233 : memref<512xf32, #tpu.memory_space<hbm>>) target(%dma_start3A_232 : memref<512xf32, #tpu.memory_space<vmem>>) target_semaphore(%arg13 : memref<!tpu.dma_semaphore, #tpu.memory_space<semaphore_mem>>)
    %add3A_234 = arith.constant 49152 : i32
    %add3A_235 = arith.addi %add3A_234, %mul3A_2 : i32
    %dma_start3A_236 = arith.constant 1536 : i32
    %dma_start3A_237 = tpu.memref_slice %arg9[%dma_start3A_236] : memref<6656xf32, #tpu.memory_space<vmem>> -> memref<512xf32, #tpu.memory_space<vmem>>
    %dma_start3A_238 = tpu.memref_slice %arg4[%add3A_235] : memref<212992xf32, #tpu.memory_space<hbm>> -> memref<512xf32, #tpu.memory_space<hbm>>
    %dma_start3A_239 = arith.constant 1536 : i32
    %dma_start3A_240 = tpu.memref_slice %arg9[%dma_start3A_239] : memref<6656xf32, #tpu.memory_space<vmem>> -> memref<512xf32, #tpu.memory_space<vmem>>
    %dma_start3A_241 = tpu.memref_slice %arg4[%add3A_235] : memref<212992xf32, #tpu.memory_space<hbm>> -> memref<512xf32, #tpu.memory_space<hbm>>
    tpu.enqueue_dma source(%dma_start3A_241 : memref<512xf32, #tpu.memory_space<hbm>>) target(%dma_start3A_240 : memref<512xf32, #tpu.memory_space<vmem>>) target_semaphore(%arg13 : memref<!tpu.dma_semaphore, #tpu.memory_space<semaphore_mem>>)
    %add3A_242 = arith.constant 65536 : i32
    %add3A_243 = arith.addi %add3A_242, %mul3A_2 : i32
    %dma_start3A_244 = arith.constant 2048 : i32
    %dma_start3A_245 = tpu.memref_slice %arg9[%dma_start3A_244] : memref<6656xf32, #tpu.memory_space<vmem>> -> memref<512xf32, #tpu.memory_space<vmem>>
    %dma_start3A_246 = tpu.memref_slice %arg4[%add3A_243] : memref<212992xf32, #tpu.memory_space<hbm>> -> memref<512xf32, #tpu.memory_space<hbm>>
    %dma_start3A_247 = arith.constant 2048 : i32
    %dma_start3A_248 = tpu.memref_slice %arg9[%dma_start3A_247] : memref<6656xf32, #tpu.memory_space<vmem>> -> memref<512xf32, #tpu.memory_space<vmem>>
    %dma_start3A_249 = tpu.memref_slice %arg4[%add3A_243] : memref<212992xf32, #tpu.memory_space<hbm>> -> memref<512xf32, #tpu.memory_space<hbm>>
    tpu.enqueue_dma source(%dma_start3A_249 : memref<512xf32, #tpu.memory_space<hbm>>) target(%dma_start3A_248 : memref<512xf32, #tpu.memory_space<vmem>>) target_semaphore(%arg13 : memref<!tpu.dma_semaphore, #tpu.memory_space<semaphore_mem>>)
    %add3A_250 = arith.constant 81920 : i32
    %add3A_251 = arith.addi %add3A_250, %mul3A_2 : i32
    %dma_start3A_252 = arith.constant 2560 : i32
    %dma_start3A_253 = tpu.memref_slice %arg9[%dma_start3A_252] : memref<6656xf32, #tpu.memory_space<vmem>> -> memref<512xf32, #tpu.memory_space<vmem>>
    %dma_start3A_254 = tpu.memref_slice %arg4[%add3A_251] : memref<212992xf32, #tpu.memory_space<hbm>> -> memref<512xf32, #tpu.memory_space<hbm>>
    %dma_start3A_255 = arith.constant 2560 : i32
    %dma_start3A_256 = tpu.memref_slice %arg9[%dma_start3A_255] : memref<6656xf32, #tpu.memory_space<vmem>> -> memref<512xf32, #tpu.memory_space<vmem>>
    %dma_start3A_257 = tpu.memref_slice %arg4[%add3A_251] : memref<212992xf32, #tpu.memory_space<hbm>> -> memref<512xf32, #tpu.memory_space<hbm>>
    tpu.enqueue_dma source(%dma_start3A_257 : memref<512xf32, #tpu.memory_space<hbm>>) target(%dma_start3A_256 : memref<512xf32, #tpu.memory_space<vmem>>) target_semaphore(%arg13 : memref<!tpu.dma_semaphore, #tpu.memory_space<semaphore_mem>>)
    %add3A_258 = arith.constant 98304 : i32
    %add3A_259 = arith.addi %add3A_258, %mul3A_2 : i32
    %dma_start3A_260 = arith.constant 3072 : i32
    %dma_start3A_261 = tpu.memref_slice %arg9[%dma_start3A_260] : memref<6656xf32, #tpu.memory_space<vmem>> -> memref<512xf32, #tpu.memory_space<vmem>>
    %dma_start3A_262 = tpu.memref_slice %arg4[%add3A_259] : memref<212992xf32, #tpu.memory_space<hbm>> -> memref<512xf32, #tpu.memory_space<hbm>>
    %dma_start3A_263 = arith.constant 3072 : i32
    %dma_start3A_264 = tpu.memref_slice %arg9[%dma_start3A_263] : memref<6656xf32, #tpu.memory_space<vmem>> -> memref<512xf32, #tpu.memory_space<vmem>>
    %dma_start3A_265 = tpu.memref_slice %arg4[%add3A_259] : memref<212992xf32, #tpu.memory_space<hbm>> -> memref<512xf32, #tpu.memory_space<hbm>>
    tpu.enqueue_dma source(%dma_start3A_265 : memref<512xf32, #tpu.memory_space<hbm>>) target(%dma_start3A_264 : memref<512xf32, #tpu.memory_space<vmem>>) target_semaphore(%arg13 : memref<!tpu.dma_semaphore, #tpu.memory_space<semaphore_mem>>)
    %add3A_266 = arith.constant 114688 : i32
    %add3A_267 = arith.addi %add3A_266, %mul3A_2 : i32
    %dma_start3A_268 = arith.constant 3584 : i32
    %dma_start3A_269 = tpu.memref_slice %arg9[%dma_start3A_268] : memref<6656xf32, #tpu.memory_space<vmem>> -> memref<512xf32, #tpu.memory_space<vmem>>
    %dma_start3A_270 = tpu.memref_slice %arg4[%add3A_267] : memref<212992xf32, #tpu.memory_space<hbm>> -> memref<512xf32, #tpu.memory_space<hbm>>
    %dma_start3A_271 = arith.constant 3584 : i32
    %dma_start3A_272 = tpu.memref_slice %arg9[%dma_start3A_271] : memref<6656xf32, #tpu.memory_space<vmem>> -> memref<512xf32, #tpu.memory_space<vmem>>
    %dma_start3A_273 = tpu.memref_slice %arg4[%add3A_267] : memref<212992xf32, #tpu.memory_space<hbm>> -> memref<512xf32, #tpu.memory_space<hbm>>
    tpu.enqueue_dma source(%dma_start3A_273 : memref<512xf32, #tpu.memory_space<hbm>>) target(%dma_start3A_272 : memref<512xf32, #tpu.memory_space<vmem>>) target_semaphore(%arg13 : memref<!tpu.dma_semaphore, #tpu.memory_space<semaphore_mem>>)
    %add3A_274 = arith.constant 131072 : i32
    %add3A_275 = arith.addi %add3A_274, %mul3A_2 : i32
    %dma_start3A_276 = arith.constant 4096 : i32
    %dma_start3A_277 = tpu.memref_slice %arg9[%dma_start3A_276] : memref<6656xf32, #tpu.memory_space<vmem>> -> memref<512xf32, #tpu.memory_space<vmem>>
    %dma_start3A_278 = tpu.memref_slice %arg4[%add3A_275] : memref<212992xf32, #tpu.memory_space<hbm>> -> memref<512xf32, #tpu.memory_space<hbm>>
    %dma_start3A_279 = arith.constant 4096 : i32
    %dma_start3A_280 = tpu.memref_slice %arg9[%dma_start3A_279] : memref<6656xf32, #tpu.memory_space<vmem>> -> memref<512xf32, #tpu.memory_space<vmem>>
    %dma_start3A_281 = tpu.memref_slice %arg4[%add3A_275] : memref<212992xf32, #tpu.memory_space<hbm>> -> memref<512xf32, #tpu.memory_space<hbm>>
    tpu.enqueue_dma source(%dma_start3A_281 : memref<512xf32, #tpu.memory_space<hbm>>) target(%dma_start3A_280 : memref<512xf32, #tpu.memory_space<vmem>>) target_semaphore(%arg13 : memref<!tpu.dma_semaphore, #tpu.memory_space<semaphore_mem>>)
    %add3A_282 = arith.constant 147456 : i32
    %add3A_283 = arith.addi %add3A_282, %mul3A_2 : i32
    %dma_start3A_284 = arith.constant 4608 : i32
    %dma_start3A_285 = tpu.memref_slice %arg9[%dma_start3A_284] : memref<6656xf32, #tpu.memory_space<vmem>> -> memref<512xf32, #tpu.memory_space<vmem>>
    %dma_start3A_286 = tpu.memref_slice %arg4[%add3A_283] : memref<212992xf32, #tpu.memory_space<hbm>> -> memref<512xf32, #tpu.memory_space<hbm>>
    %dma_start3A_287 = arith.constant 4608 : i32
    %dma_start3A_288 = tpu.memref_slice %arg9[%dma_start3A_287] : memref<6656xf32, #tpu.memory_space<vmem>> -> memref<512xf32, #tpu.memory_space<vmem>>
    %dma_start3A_289 = tpu.memref_slice %arg4[%add3A_283] : memref<212992xf32, #tpu.memory_space<hbm>> -> memref<512xf32, #tpu.memory_space<hbm>>
    tpu.enqueue_dma source(%dma_start3A_289 : memref<512xf32, #tpu.memory_space<hbm>>) target(%dma_start3A_288 : memref<512xf32, #tpu.memory_space<vmem>>) target_semaphore(%arg13 : memref<!tpu.dma_semaphore, #tpu.memory_space<semaphore_mem>>)
    %add3A_290 = arith.constant 163840 : i32
    %add3A_291 = arith.addi %add3A_290, %mul3A_2 : i32
    %dma_start3A_292 = arith.constant 5120 : i32
    %dma_start3A_293 = tpu.memref_slice %arg9[%dma_start3A_292] : memref<6656xf32, #tpu.memory_space<vmem>> -> memref<512xf32, #tpu.memory_space<vmem>>
    %dma_start3A_294 = tpu.memref_slice %arg4[%add3A_291] : memref<212992xf32, #tpu.memory_space<hbm>> -> memref<512xf32, #tpu.memory_space<hbm>>
    %dma_start3A_295 = arith.constant 5120 : i32
    %dma_start3A_296 = tpu.memref_slice %arg9[%dma_start3A_295] : memref<6656xf32, #tpu.memory_space<vmem>> -> memref<512xf32, #tpu.memory_space<vmem>>
    %dma_start3A_297 = tpu.memref_slice %arg4[%add3A_291] : memref<212992xf32, #tpu.memory_space<hbm>> -> memref<512xf32, #tpu.memory_space<hbm>>
    tpu.enqueue_dma source(%dma_start3A_297 : memref<512xf32, #tpu.memory_space<hbm>>) target(%dma_start3A_296 : memref<512xf32, #tpu.memory_space<vmem>>) target_semaphore(%arg13 : memref<!tpu.dma_semaphore, #tpu.memory_space<semaphore_mem>>)
    %add3A_298 = arith.constant 180224 : i32
    %add3A_299 = arith.addi %add3A_298, %mul3A_2 : i32
    %dma_start3A_300 = arith.constant 5632 : i32
    %dma_start3A_301 = tpu.memref_slice %arg9[%dma_start3A_300] : memref<6656xf32, #tpu.memory_space<vmem>> -> memref<512xf32, #tpu.memory_space<vmem>>
    %dma_start3A_302 = tpu.memref_slice %arg4[%add3A_299] : memref<212992xf32, #tpu.memory_space<hbm>> -> memref<512xf32, #tpu.memory_space<hbm>>
    %dma_start3A_303 = arith.constant 5632 : i32
    %dma_start3A_304 = tpu.memref_slice %arg9[%dma_start3A_303] : memref<6656xf32, #tpu.memory_space<vmem>> -> memref<512xf32, #tpu.memory_space<vmem>>
    %dma_start3A_305 = tpu.memref_slice %arg4[%add3A_299] : memref<212992xf32, #tpu.memory_space<hbm>> -> memref<512xf32, #tpu.memory_space<hbm>>
    tpu.enqueue_dma source(%dma_start3A_305 : memref<512xf32, #tpu.memory_space<hbm>>) target(%dma_start3A_304 : memref<512xf32, #tpu.memory_space<vmem>>) target_semaphore(%arg13 : memref<!tpu.dma_semaphore, #tpu.memory_space<semaphore_mem>>)
    %add3A_306 = arith.constant 196608 : i32
    %add3A_307 = arith.addi %add3A_306, %mul3A_2 : i32
    %dma_start3A_308 = arith.constant 6144 : i32
    %dma_start3A_309 = tpu.memref_slice %arg9[%dma_start3A_308] : memref<6656xf32, #tpu.memory_space<vmem>> -> memref<512xf32, #tpu.memory_space<vmem>>
    %dma_start3A_310 = tpu.memref_slice %arg4[%add3A_307] : memref<212992xf32, #tpu.memory_space<hbm>> -> memref<512xf32, #tpu.memory_space<hbm>>
    %dma_start3A_311 = arith.constant 6144 : i32
    %dma_start3A_312 = tpu.memref_slice %arg9[%dma_start3A_311] : memref<6656xf32, #tpu.memory_space<vmem>> -> memref<512xf32, #tpu.memory_space<vmem>>
    %dma_start3A_313 = tpu.memref_slice %arg4[%add3A_307] : memref<212992xf32, #tpu.memory_space<hbm>> -> memref<512xf32, #tpu.memory_space<hbm>>
    tpu.enqueue_dma source(%dma_start3A_313 : memref<512xf32, #tpu.memory_space<hbm>>) target(%dma_start3A_312 : memref<512xf32, #tpu.memory_space<vmem>>) target_semaphore(%arg13 : memref<!tpu.dma_semaphore, #tpu.memory_space<semaphore_mem>>)
    tpu.enqueue_dma source(%arg5 : memref<16xf32, #tpu.memory_space<hbm>>) target(%arg10 : memref<16xf32, #tpu.memory_space<vmem>>) target_semaphore(%arg13 : memref<!tpu.dma_semaphore, #tpu.memory_space<semaphore_mem>>)
    %dma_wait3A = arith.constant 0 : i32
    %dma_wait3A_314 = tpu.memref_slice %arg7[%dma_wait3A] : memref<13312xi32, #tpu.memory_space<vmem>> -> memref<512xi32, #tpu.memory_space<vmem>>
    %dma_wait3A_315 = tpu.memref_slice %arg2[%add3A_4] : memref<425984xi32, #tpu.memory_space<hbm>> -> memref<512xi32, #tpu.memory_space<hbm>>
    %dma_wait3A_316 = arith.constant 0 : i32
    %dma_wait3A_317 = tpu.memref_slice %arg7[%dma_wait3A_316] : memref<13312xi32, #tpu.memory_space<vmem>> -> memref<512xi32, #tpu.memory_space<vmem>>
    %dma_wait3A_318 = tpu.memref_slice %arg2[%add3A_4] : memref<425984xi32, #tpu.memory_space<hbm>> -> memref<512xi32, #tpu.memory_space<hbm>>
    tpu.wait_dma2 semaphore(%arg12 : memref<!tpu.dma_semaphore, #tpu.memory_space<semaphore_mem>>) src(%dma_wait3A_318 : memref<512xi32, #tpu.memory_space<hbm>>) dst(%dma_wait3A_317 : memref<512xi32, #tpu.memory_space<vmem>>)
    %dma_wait3A_319 = arith.constant 512 : i32
    %dma_wait3A_320 = tpu.memref_slice %arg7[%dma_wait3A_319] : memref<13312xi32, #tpu.memory_space<vmem>> -> memref<512xi32, #tpu.memory_space<vmem>>
    %dma_wait3A_321 = tpu.memref_slice %arg2[%add3A_11] : memref<425984xi32, #tpu.memory_space<hbm>> -> memref<512xi32, #tpu.memory_space<hbm>>
    %dma_wait3A_322 = arith.constant 512 : i32
    %dma_wait3A_323 = tpu.memref_slice %arg7[%dma_wait3A_322] : memref<13312xi32, #tpu.memory_space<vmem>> -> memref<512xi32, #tpu.memory_space<vmem>>
    %dma_wait3A_324 = tpu.memref_slice %arg2[%add3A_11] : memref<425984xi32, #tpu.memory_space<hbm>> -> memref<512xi32, #tpu.memory_space<hbm>>
    tpu.wait_dma2 semaphore(%arg12 : memref<!tpu.dma_semaphore, #tpu.memory_space<semaphore_mem>>) src(%dma_wait3A_324 : memref<512xi32, #tpu.memory_space<hbm>>) dst(%dma_wait3A_323 : memref<512xi32, #tpu.memory_space<vmem>>)
    %dma_wait3A_325 = arith.constant 1024 : i32
    %dma_wait3A_326 = tpu.memref_slice %arg7[%dma_wait3A_325] : memref<13312xi32, #tpu.memory_space<vmem>> -> memref<512xi32, #tpu.memory_space<vmem>>
    %dma_wait3A_327 = tpu.memref_slice %arg2[%add3A_19] : memref<425984xi32, #tpu.memory_space<hbm>> -> memref<512xi32, #tpu.memory_space<hbm>>
    %dma_wait3A_328 = arith.constant 1024 : i32
    %dma_wait3A_329 = tpu.memref_slice %arg7[%dma_wait3A_328] : memref<13312xi32, #tpu.memory_space<vmem>> -> memref<512xi32, #tpu.memory_space<vmem>>
    %dma_wait3A_330 = tpu.memref_slice %arg2[%add3A_19] : memref<425984xi32, #tpu.memory_space<hbm>> -> memref<512xi32, #tpu.memory_space<hbm>>
    tpu.wait_dma2 semaphore(%arg12 : memref<!tpu.dma_semaphore, #tpu.memory_space<semaphore_mem>>) src(%dma_wait3A_330 : memref<512xi32, #tpu.memory_space<hbm>>) dst(%dma_wait3A_329 : memref<512xi32, #tpu.memory_space<vmem>>)
    %dma_wait3A_331 = arith.constant 1536 : i32
    %dma_wait3A_332 = tpu.memref_slice %arg7[%dma_wait3A_331] : memref<13312xi32, #tpu.memory_space<vmem>> -> memref<512xi32, #tpu.memory_space<vmem>>
    %dma_wait3A_333 = tpu.memref_slice %arg2[%add3A_27] : memref<425984xi32, #tpu.memory_space<hbm>> -> memref<512xi32, #tpu.memory_space<hbm>>
    %dma_wait3A_334 = arith.constant 1536 : i32
    %dma_wait3A_335 = tpu.memref_slice %arg7[%dma_wait3A_334] : memref<13312xi32, #tpu.memory_space<vmem>> -> memref<512xi32, #tpu.memory_space<vmem>>
    %dma_wait3A_336 = tpu.memref_slice %arg2[%add3A_27] : memref<425984xi32, #tpu.memory_space<hbm>> -> memref<512xi32, #tpu.memory_space<hbm>>
    tpu.wait_dma2 semaphore(%arg12 : memref<!tpu.dma_semaphore, #tpu.memory_space<semaphore_mem>>) src(%dma_wait3A_336 : memref<512xi32, #tpu.memory_space<hbm>>) dst(%dma_wait3A_335 : memref<512xi32, #tpu.memory_space<vmem>>)
    %dma_wait3A_337 = arith.constant 2048 : i32
    %dma_wait3A_338 = tpu.memref_slice %arg7[%dma_wait3A_337] : memref<13312xi32, #tpu.memory_space<vmem>> -> memref<512xi32, #tpu.memory_space<vmem>>
    %dma_wait3A_339 = tpu.memref_slice %arg2[%add3A_35] : memref<425984xi32, #tpu.memory_space<hbm>> -> memref<512xi32, #tpu.memory_space<hbm>>
    %dma_wait3A_340 = arith.constant 2048 : i32
    %dma_wait3A_341 = tpu.memref_slice %arg7[%dma_wait3A_340] : memref<13312xi32, #tpu.memory_space<vmem>> -> memref<512xi32, #tpu.memory_space<vmem>>
    %dma_wait3A_342 = tpu.memref_slice %arg2[%add3A_35] : memref<425984xi32, #tpu.memory_space<hbm>> -> memref<512xi32, #tpu.memory_space<hbm>>
    tpu.wait_dma2 semaphore(%arg12 : memref<!tpu.dma_semaphore, #tpu.memory_space<semaphore_mem>>) src(%dma_wait3A_342 : memref<512xi32, #tpu.memory_space<hbm>>) dst(%dma_wait3A_341 : memref<512xi32, #tpu.memory_space<vmem>>)
    %dma_wait3A_343 = arith.constant 2560 : i32
    %dma_wait3A_344 = tpu.memref_slice %arg7[%dma_wait3A_343] : memref<13312xi32, #tpu.memory_space<vmem>> -> memref<512xi32, #tpu.memory_space<vmem>>
    %dma_wait3A_345 = tpu.memref_slice %arg2[%add3A_43] : memref<425984xi32, #tpu.memory_space<hbm>> -> memref<512xi32, #tpu.memory_space<hbm>>
    %dma_wait3A_346 = arith.constant 2560 : i32
    %dma_wait3A_347 = tpu.memref_slice %arg7[%dma_wait3A_346] : memref<13312xi32, #tpu.memory_space<vmem>> -> memref<512xi32, #tpu.memory_space<vmem>>
    %dma_wait3A_348 = tpu.memref_slice %arg2[%add3A_43] : memref<425984xi32, #tpu.memory_space<hbm>> -> memref<512xi32, #tpu.memory_space<hbm>>
    tpu.wait_dma2 semaphore(%arg12 : memref<!tpu.dma_semaphore, #tpu.memory_space<semaphore_mem>>) src(%dma_wait3A_348 : memref<512xi32, #tpu.memory_space<hbm>>) dst(%dma_wait3A_347 : memref<512xi32, #tpu.memory_space<vmem>>)
    %dma_wait3A_349 = arith.constant 3072 : i32
    %dma_wait3A_350 = tpu.memref_slice %arg7[%dma_wait3A_349] : memref<13312xi32, #tpu.memory_space<vmem>> -> memref<512xi32, #tpu.memory_space<vmem>>
    %dma_wait3A_351 = tpu.memref_slice %arg2[%add3A_51] : memref<425984xi32, #tpu.memory_space<hbm>> -> memref<512xi32, #tpu.memory_space<hbm>>
    %dma_wait3A_352 = arith.constant 3072 : i32
    %dma_wait3A_353 = tpu.memref_slice %arg7[%dma_wait3A_352] : memref<13312xi32, #tpu.memory_space<vmem>> -> memref<512xi32, #tpu.memory_space<vmem>>
    %dma_wait3A_354 = tpu.memref_slice %arg2[%add3A_51] : memref<425984xi32, #tpu.memory_space<hbm>> -> memref<512xi32, #tpu.memory_space<hbm>>
    tpu.wait_dma2 semaphore(%arg12 : memref<!tpu.dma_semaphore, #tpu.memory_space<semaphore_mem>>) src(%dma_wait3A_354 : memref<512xi32, #tpu.memory_space<hbm>>) dst(%dma_wait3A_353 : memref<512xi32, #tpu.memory_space<vmem>>)
    %dma_wait3A_355 = arith.constant 3584 : i32
    %dma_wait3A_356 = tpu.memref_slice %arg7[%dma_wait3A_355] : memref<13312xi32, #tpu.memory_space<vmem>> -> memref<512xi32, #tpu.memory_space<vmem>>
    %dma_wait3A_357 = tpu.memref_slice %arg2[%add3A_59] : memref<425984xi32, #tpu.memory_space<hbm>> -> memref<512xi32, #tpu.memory_space<hbm>>
    %dma_wait3A_358 = arith.constant 3584 : i32
    %dma_wait3A_359 = tpu.memref_slice %arg7[%dma_wait3A_358] : memref<13312xi32, #tpu.memory_space<vmem>> -> memref<512xi32, #tpu.memory_space<vmem>>
    %dma_wait3A_360 = tpu.memref_slice %arg2[%add3A_59] : memref<425984xi32, #tpu.memory_space<hbm>> -> memref<512xi32, #tpu.memory_space<hbm>>
    tpu.wait_dma2 semaphore(%arg12 : memref<!tpu.dma_semaphore, #tpu.memory_space<semaphore_mem>>) src(%dma_wait3A_360 : memref<512xi32, #tpu.memory_space<hbm>>) dst(%dma_wait3A_359 : memref<512xi32, #tpu.memory_space<vmem>>)
    %dma_wait3A_361 = arith.constant 4096 : i32
    %dma_wait3A_362 = tpu.memref_slice %arg7[%dma_wait3A_361] : memref<13312xi32, #tpu.memory_space<vmem>> -> memref<512xi32, #tpu.memory_space<vmem>>
    %dma_wait3A_363 = tpu.memref_slice %arg2[%add3A_67] : memref<425984xi32, #tpu.memory_space<hbm>> -> memref<512xi32, #tpu.memory_space<hbm>>
    %dma_wait3A_364 = arith.constant 4096 : i32
    %dma_wait3A_365 = tpu.memref_slice %arg7[%dma_wait3A_364] : memref<13312xi32, #tpu.memory_space<vmem>> -> memref<512xi32, #tpu.memory_space<vmem>>
    %dma_wait3A_366 = tpu.memref_slice %arg2[%add3A_67] : memref<425984xi32, #tpu.memory_space<hbm>> -> memref<512xi32, #tpu.memory_space<hbm>>
    tpu.wait_dma2 semaphore(%arg12 : memref<!tpu.dma_semaphore, #tpu.memory_space<semaphore_mem>>) src(%dma_wait3A_366 : memref<512xi32, #tpu.memory_space<hbm>>) dst(%dma_wait3A_365 : memref<512xi32, #tpu.memory_space<vmem>>)
    %dma_wait3A_367 = arith.constant 4608 : i32
    %dma_wait3A_368 = tpu.memref_slice %arg7[%dma_wait3A_367] : memref<13312xi32, #tpu.memory_space<vmem>> -> memref<512xi32, #tpu.memory_space<vmem>>
    %dma_wait3A_369 = tpu.memref_slice %arg2[%add3A_75] : memref<425984xi32, #tpu.memory_space<hbm>> -> memref<512xi32, #tpu.memory_space<hbm>>
    %dma_wait3A_370 = arith.constant 4608 : i32
    %dma_wait3A_371 = tpu.memref_slice %arg7[%dma_wait3A_370] : memref<13312xi32, #tpu.memory_space<vmem>> -> memref<512xi32, #tpu.memory_space<vmem>>
    %dma_wait3A_372 = tpu.memref_slice %arg2[%add3A_75] : memref<425984xi32, #tpu.memory_space<hbm>> -> memref<512xi32, #tpu.memory_space<hbm>>
    tpu.wait_dma2 semaphore(%arg12 : memref<!tpu.dma_semaphore, #tpu.memory_space<semaphore_mem>>) src(%dma_wait3A_372 : memref<512xi32, #tpu.memory_space<hbm>>) dst(%dma_wait3A_371 : memref<512xi32, #tpu.memory_space<vmem>>)
    %dma_wait3A_373 = arith.constant 5120 : i32
    %dma_wait3A_374 = tpu.memref_slice %arg7[%dma_wait3A_373] : memref<13312xi32, #tpu.memory_space<vmem>> -> memref<512xi32, #tpu.memory_space<vmem>>
    %dma_wait3A_375 = tpu.memref_slice %arg2[%add3A_83] : memref<425984xi32, #tpu.memory_space<hbm>> -> memref<512xi32, #tpu.memory_space<hbm>>
    %dma_wait3A_376 = arith.constant 5120 : i32
    %dma_wait3A_377 = tpu.memref_slice %arg7[%dma_wait3A_376] : memref<13312xi32, #tpu.memory_space<vmem>> -> memref<512xi32, #tpu.memory_space<vmem>>
    %dma_wait3A_378 = tpu.memref_slice %arg2[%add3A_83] : memref<425984xi32, #tpu.memory_space<hbm>> -> memref<512xi32, #tpu.memory_space<hbm>>
    tpu.wait_dma2 semaphore(%arg12 : memref<!tpu.dma_semaphore, #tpu.memory_space<semaphore_mem>>) src(%dma_wait3A_378 : memref<512xi32, #tpu.memory_space<hbm>>) dst(%dma_wait3A_377 : memref<512xi32, #tpu.memory_space<vmem>>)
    %dma_wait3A_379 = arith.constant 5632 : i32
    %dma_wait3A_380 = tpu.memref_slice %arg7[%dma_wait3A_379] : memref<13312xi32, #tpu.memory_space<vmem>> -> memref<512xi32, #tpu.memory_space<vmem>>
    %dma_wait3A_381 = tpu.memref_slice %arg2[%add3A_91] : memref<425984xi32, #tpu.memory_space<hbm>> -> memref<512xi32, #tpu.memory_space<hbm>>
    %dma_wait3A_382 = arith.constant 5632 : i32
    %dma_wait3A_383 = tpu.memref_slice %arg7[%dma_wait3A_382] : memref<13312xi32, #tpu.memory_space<vmem>> -> memref<512xi32, #tpu.memory_space<vmem>>
    %dma_wait3A_384 = tpu.memref_slice %arg2[%add3A_91] : memref<425984xi32, #tpu.memory_space<hbm>> -> memref<512xi32, #tpu.memory_space<hbm>>
    tpu.wait_dma2 semaphore(%arg12 : memref<!tpu.dma_semaphore, #tpu.memory_space<semaphore_mem>>) src(%dma_wait3A_384 : memref<512xi32, #tpu.memory_space<hbm>>) dst(%dma_wait3A_383 : memref<512xi32, #tpu.memory_space<vmem>>)
    %dma_wait3A_385 = arith.constant 6144 : i32
    %dma_wait3A_386 = tpu.memref_slice %arg7[%dma_wait3A_385] : memref<13312xi32, #tpu.memory_space<vmem>> -> memref<512xi32, #tpu.memory_space<vmem>>
    %dma_wait3A_387 = tpu.memref_slice %arg2[%add3A_99] : memref<425984xi32, #tpu.memory_space<hbm>> -> memref<512xi32, #tpu.memory_space<hbm>>
    %dma_wait3A_388 = arith.constant 6144 : i32
    %dma_wait3A_389 = tpu.memref_slice %arg7[%dma_wait3A_388] : memref<13312xi32, #tpu.memory_space<vmem>> -> memref<512xi32, #tpu.memory_space<vmem>>
    %dma_wait3A_390 = tpu.memref_slice %arg2[%add3A_99] : memref<425984xi32, #tpu.memory_space<hbm>> -> memref<512xi32, #tpu.memory_space<hbm>>
    tpu.wait_dma2 semaphore(%arg12 : memref<!tpu.dma_semaphore, #tpu.memory_space<semaphore_mem>>) src(%dma_wait3A_390 : memref<512xi32, #tpu.memory_space<hbm>>) dst(%dma_wait3A_389 : memref<512xi32, #tpu.memory_space<vmem>>)
    %dma_wait3A_391 = arith.constant 6656 : i32
    %dma_wait3A_392 = tpu.memref_slice %arg7[%dma_wait3A_391] : memref<13312xi32, #tpu.memory_space<vmem>> -> memref<512xi32, #tpu.memory_space<vmem>>
    %dma_wait3A_393 = tpu.memref_slice %arg2[%add3A_107] : memref<425984xi32, #tpu.memory_space<hbm>> -> memref<512xi32, #tpu.memory_space<hbm>>
    %dma_wait3A_394 = arith.constant 6656 : i32
    %dma_wait3A_395 = tpu.memref_slice %arg7[%dma_wait3A_394] : memref<13312xi32, #tpu.memory_space<vmem>> -> memref<512xi32, #tpu.memory_space<vmem>>
    %dma_wait3A_396 = tpu.memref_slice %arg2[%add3A_107] : memref<425984xi32, #tpu.memory_space<hbm>> -> memref<512xi32, #tpu.memory_space<hbm>>
    tpu.wait_dma2 semaphore(%arg12 : memref<!tpu.dma_semaphore, #tpu.memory_space<semaphore_mem>>) src(%dma_wait3A_396 : memref<512xi32, #tpu.memory_space<hbm>>) dst(%dma_wait3A_395 : memref<512xi32, #tpu.memory_space<vmem>>)
    %dma_wait3A_397 = arith.constant 7168 : i32
    %dma_wait3A_398 = tpu.memref_slice %arg7[%dma_wait3A_397] : memref<13312xi32, #tpu.memory_space<vmem>> -> memref<512xi32, #tpu.memory_space<vmem>>
    %dma_wait3A_399 = tpu.memref_slice %arg2[%add3A_115] : memref<425984xi32, #tpu.memory_space<hbm>> -> memref<512xi32, #tpu.memory_space<hbm>>
    %dma_wait3A_400 = arith.constant 7168 : i32
    %dma_wait3A_401 = tpu.memref_slice %arg7[%dma_wait3A_400] : memref<13312xi32, #tpu.memory_space<vmem>> -> memref<512xi32, #tpu.memory_space<vmem>>
    %dma_wait3A_402 = tpu.memref_slice %arg2[%add3A_115] : memref<425984xi32, #tpu.memory_space<hbm>> -> memref<512xi32, #tpu.memory_space<hbm>>
    tpu.wait_dma2 semaphore(%arg12 : memref<!tpu.dma_semaphore, #tpu.memory_space<semaphore_mem>>) src(%dma_wait3A_402 : memref<512xi32, #tpu.memory_space<hbm>>) dst(%dma_wait3A_401 : memref<512xi32, #tpu.memory_space<vmem>>)
    %dma_wait3A_403 = arith.constant 7680 : i32
    %dma_wait3A_404 = tpu.memref_slice %arg7[%dma_wait3A_403] : memref<13312xi32, #tpu.memory_space<vmem>> -> memref<512xi32, #tpu.memory_space<vmem>>
    %dma_wait3A_405 = tpu.memref_slice %arg2[%add3A_123] : memref<425984xi32, #tpu.memory_space<hbm>> -> memref<512xi32, #tpu.memory_space<hbm>>
    %dma_wait3A_406 = arith.constant 7680 : i32
    %dma_wait3A_407 = tpu.memref_slice %arg7[%dma_wait3A_406] : memref<13312xi32, #tpu.memory_space<vmem>> -> memref<512xi32, #tpu.memory_space<vmem>>
    %dma_wait3A_408 = tpu.memref_slice %arg2[%add3A_123] : memref<425984xi32, #tpu.memory_space<hbm>> -> memref<512xi32, #tpu.memory_space<hbm>>
    tpu.wait_dma2 semaphore(%arg12 : memref<!tpu.dma_semaphore, #tpu.memory_space<semaphore_mem>>) src(%dma_wait3A_408 : memref<512xi32, #tpu.memory_space<hbm>>) dst(%dma_wait3A_407 : memref<512xi32, #tpu.memory_space<vmem>>)
    %dma_wait3A_409 = arith.constant 8192 : i32
    %dma_wait3A_410 = tpu.memref_slice %arg7[%dma_wait3A_409] : memref<13312xi32, #tpu.memory_space<vmem>> -> memref<512xi32, #tpu.memory_space<vmem>>
    %dma_wait3A_411 = tpu.memref_slice %arg2[%add3A_131] : memref<425984xi32, #tpu.memory_space<hbm>> -> memref<512xi32, #tpu.memory_space<hbm>>
    %dma_wait3A_412 = arith.constant 8192 : i32
    %dma_wait3A_413 = tpu.memref_slice %arg7[%dma_wait3A_412] : memref<13312xi32, #tpu.memory_space<vmem>> -> memref<512xi32, #tpu.memory_space<vmem>>
    %dma_wait3A_414 = tpu.memref_slice %arg2[%add3A_131] : memref<425984xi32, #tpu.memory_space<hbm>> -> memref<512xi32, #tpu.memory_space<hbm>>
    tpu.wait_dma2 semaphore(%arg12 : memref<!tpu.dma_semaphore, #tpu.memory_space<semaphore_mem>>) src(%dma_wait3A_414 : memref<512xi32, #tpu.memory_space<hbm>>) dst(%dma_wait3A_413 : memref<512xi32, #tpu.memory_space<vmem>>)
    %dma_wait3A_415 = arith.constant 8704 : i32
    %dma_wait3A_416 = tpu.memref_slice %arg7[%dma_wait3A_415] : memref<13312xi32, #tpu.memory_space<vmem>> -> memref<512xi32, #tpu.memory_space<vmem>>
    %dma_wait3A_417 = tpu.memref_slice %arg2[%add3A_139] : memref<425984xi32, #tpu.memory_space<hbm>> -> memref<512xi32, #tpu.memory_space<hbm>>
    %dma_wait3A_418 = arith.constant 8704 : i32
    %dma_wait3A_419 = tpu.memref_slice %arg7[%dma_wait3A_418] : memref<13312xi32, #tpu.memory_space<vmem>> -> memref<512xi32, #tpu.memory_space<vmem>>
    %dma_wait3A_420 = tpu.memref_slice %arg2[%add3A_139] : memref<425984xi32, #tpu.memory_space<hbm>> -> memref<512xi32, #tpu.memory_space<hbm>>
    tpu.wait_dma2 semaphore(%arg12 : memref<!tpu.dma_semaphore, #tpu.memory_space<semaphore_mem>>) src(%dma_wait3A_420 : memref<512xi32, #tpu.memory_space<hbm>>) dst(%dma_wait3A_419 : memref<512xi32, #tpu.memory_space<vmem>>)
    %dma_wait3A_421 = arith.constant 9216 : i32
    %dma_wait3A_422 = tpu.memref_slice %arg7[%dma_wait3A_421] : memref<13312xi32, #tpu.memory_space<vmem>> -> memref<512xi32, #tpu.memory_space<vmem>>
    %dma_wait3A_423 = tpu.memref_slice %arg2[%add3A_147] : memref<425984xi32, #tpu.memory_space<hbm>> -> memref<512xi32, #tpu.memory_space<hbm>>
    %dma_wait3A_424 = arith.constant 9216 : i32
    %dma_wait3A_425 = tpu.memref_slice %arg7[%dma_wait3A_424] : memref<13312xi32, #tpu.memory_space<vmem>> -> memref<512xi32, #tpu.memory_space<vmem>>
    %dma_wait3A_426 = tpu.memref_slice %arg2[%add3A_147] : memref<425984xi32, #tpu.memory_space<hbm>> -> memref<512xi32, #tpu.memory_space<hbm>>
    tpu.wait_dma2 semaphore(%arg12 : memref<!tpu.dma_semaphore, #tpu.memory_space<semaphore_mem>>) src(%dma_wait3A_426 : memref<512xi32, #tpu.memory_space<hbm>>) dst(%dma_wait3A_425 : memref<512xi32, #tpu.memory_space<vmem>>)
    %dma_wait3A_427 = arith.constant 9728 : i32
    %dma_wait3A_428 = tpu.memref_slice %arg7[%dma_wait3A_427] : memref<13312xi32, #tpu.memory_space<vmem>> -> memref<512xi32, #tpu.memory_space<vmem>>
    %dma_wait3A_429 = tpu.memref_slice %arg2[%add3A_155] : memref<425984xi32, #tpu.memory_space<hbm>> -> memref<512xi32, #tpu.memory_space<hbm>>
    %dma_wait3A_430 = arith.constant 9728 : i32
    %dma_wait3A_431 = tpu.memref_slice %arg7[%dma_wait3A_430] : memref<13312xi32, #tpu.memory_space<vmem>> -> memref<512xi32, #tpu.memory_space<vmem>>
    %dma_wait3A_432 = tpu.memref_slice %arg2[%add3A_155] : memref<425984xi32, #tpu.memory_space<hbm>> -> memref<512xi32, #tpu.memory_space<hbm>>
    tpu.wait_dma2 semaphore(%arg12 : memref<!tpu.dma_semaphore, #tpu.memory_space<semaphore_mem>>) src(%dma_wait3A_432 : memref<512xi32, #tpu.memory_space<hbm>>) dst(%dma_wait3A_431 : memref<512xi32, #tpu.memory_space<vmem>>)
    %dma_wait3A_433 = arith.constant 10240 : i32
    %dma_wait3A_434 = tpu.memref_slice %arg7[%dma_wait3A_433] : memref<13312xi32, #tpu.memory_space<vmem>> -> memref<512xi32, #tpu.memory_space<vmem>>
    %dma_wait3A_435 = tpu.memref_slice %arg2[%add3A_163] : memref<425984xi32, #tpu.memory_space<hbm>> -> memref<512xi32, #tpu.memory_space<hbm>>
    %dma_wait3A_436 = arith.constant 10240 : i32
    %dma_wait3A_437 = tpu.memref_slice %arg7[%dma_wait3A_436] : memref<13312xi32, #tpu.memory_space<vmem>> -> memref<512xi32, #tpu.memory_space<vmem>>
    %dma_wait3A_438 = tpu.memref_slice %arg2[%add3A_163] : memref<425984xi32, #tpu.memory_space<hbm>> -> memref<512xi32, #tpu.memory_space<hbm>>
    tpu.wait_dma2 semaphore(%arg12 : memref<!tpu.dma_semaphore, #tpu.memory_space<semaphore_mem>>) src(%dma_wait3A_438 : memref<512xi32, #tpu.memory_space<hbm>>) dst(%dma_wait3A_437 : memref<512xi32, #tpu.memory_space<vmem>>)
    %dma_wait3A_439 = arith.constant 10752 : i32
    %dma_wait3A_440 = tpu.memref_slice %arg7[%dma_wait3A_439] : memref<13312xi32, #tpu.memory_space<vmem>> -> memref<512xi32, #tpu.memory_space<vmem>>
    %dma_wait3A_441 = tpu.memref_slice %arg2[%add3A_171] : memref<425984xi32, #tpu.memory_space<hbm>> -> memref<512xi32, #tpu.memory_space<hbm>>
    %dma_wait3A_442 = arith.constant 10752 : i32
    %dma_wait3A_443 = tpu.memref_slice %arg7[%dma_wait3A_442] : memref<13312xi32, #tpu.memory_space<vmem>> -> memref<512xi32, #tpu.memory_space<vmem>>
    %dma_wait3A_444 = tpu.memref_slice %arg2[%add3A_171] : memref<425984xi32, #tpu.memory_space<hbm>> -> memref<512xi32, #tpu.memory_space<hbm>>
    tpu.wait_dma2 semaphore(%arg12 : memref<!tpu.dma_semaphore, #tpu.memory_space<semaphore_mem>>) src(%dma_wait3A_444 : memref<512xi32, #tpu.memory_space<hbm>>) dst(%dma_wait3A_443 : memref<512xi32, #tpu.memory_space<vmem>>)
    %dma_wait3A_445 = arith.constant 11264 : i32
    %dma_wait3A_446 = tpu.memref_slice %arg7[%dma_wait3A_445] : memref<13312xi32, #tpu.memory_space<vmem>> -> memref<512xi32, #tpu.memory_space<vmem>>
    %dma_wait3A_447 = tpu.memref_slice %arg2[%add3A_179] : memref<425984xi32, #tpu.memory_space<hbm>> -> memref<512xi32, #tpu.memory_space<hbm>>
    %dma_wait3A_448 = arith.constant 11264 : i32
    %dma_wait3A_449 = tpu.memref_slice %arg7[%dma_wait3A_448] : memref<13312xi32, #tpu.memory_space<vmem>> -> memref<512xi32, #tpu.memory_space<vmem>>
    %dma_wait3A_450 = tpu.memref_slice %arg2[%add3A_179] : memref<425984xi32, #tpu.memory_space<hbm>> -> memref<512xi32, #tpu.memory_space<hbm>>
    tpu.wait_dma2 semaphore(%arg12 : memref<!tpu.dma_semaphore, #tpu.memory_space<semaphore_mem>>) src(%dma_wait3A_450 : memref<512xi32, #tpu.memory_space<hbm>>) dst(%dma_wait3A_449 : memref<512xi32, #tpu.memory_space<vmem>>)
    %dma_wait3A_451 = arith.constant 11776 : i32
    %dma_wait3A_452 = tpu.memref_slice %arg7[%dma_wait3A_451] : memref<13312xi32, #tpu.memory_space<vmem>> -> memref<512xi32, #tpu.memory_space<vmem>>
    %dma_wait3A_453 = tpu.memref_slice %arg2[%add3A_187] : memref<425984xi32, #tpu.memory_space<hbm>> -> memref<512xi32, #tpu.memory_space<hbm>>
    %dma_wait3A_454 = arith.constant 11776 : i32
    %dma_wait3A_455 = tpu.memref_slice %arg7[%dma_wait3A_454] : memref<13312xi32, #tpu.memory_space<vmem>> -> memref<512xi32, #tpu.memory_space<vmem>>
    %dma_wait3A_456 = tpu.memref_slice %arg2[%add3A_187] : memref<425984xi32, #tpu.memory_space<hbm>> -> memref<512xi32, #tpu.memory_space<hbm>>
    tpu.wait_dma2 semaphore(%arg12 : memref<!tpu.dma_semaphore, #tpu.memory_space<semaphore_mem>>) src(%dma_wait3A_456 : memref<512xi32, #tpu.memory_space<hbm>>) dst(%dma_wait3A_455 : memref<512xi32, #tpu.memory_space<vmem>>)
    %dma_wait3A_457 = arith.constant 12288 : i32
    %dma_wait3A_458 = tpu.memref_slice %arg7[%dma_wait3A_457] : memref<13312xi32, #tpu.memory_space<vmem>> -> memref<512xi32, #tpu.memory_space<vmem>>
    %dma_wait3A_459 = tpu.memref_slice %arg2[%add3A_195] : memref<425984xi32, #tpu.memory_space<hbm>> -> memref<512xi32, #tpu.memory_space<hbm>>
    %dma_wait3A_460 = arith.constant 12288 : i32
    %dma_wait3A_461 = tpu.memref_slice %arg7[%dma_wait3A_460] : memref<13312xi32, #tpu.memory_space<vmem>> -> memref<512xi32, #tpu.memory_space<vmem>>
    %dma_wait3A_462 = tpu.memref_slice %arg2[%add3A_195] : memref<425984xi32, #tpu.memory_space<hbm>> -> memref<512xi32, #tpu.memory_space<hbm>>
    tpu.wait_dma2 semaphore(%arg12 : memref<!tpu.dma_semaphore, #tpu.memory_space<semaphore_mem>>) src(%dma_wait3A_462 : memref<512xi32, #tpu.memory_space<hbm>>) dst(%dma_wait3A_461 : memref<512xi32, #tpu.memory_space<vmem>>)
    %dma_wait3A_463 = arith.constant 12800 : i32
    %dma_wait3A_464 = tpu.memref_slice %arg7[%dma_wait3A_463] : memref<13312xi32, #tpu.memory_space<vmem>> -> memref<512xi32, #tpu.memory_space<vmem>>
    %dma_wait3A_465 = tpu.memref_slice %arg2[%add3A_203] : memref<425984xi32, #tpu.memory_space<hbm>> -> memref<512xi32, #tpu.memory_space<hbm>>
    %dma_wait3A_466 = arith.constant 12800 : i32
    %dma_wait3A_467 = tpu.memref_slice %arg7[%dma_wait3A_466] : memref<13312xi32, #tpu.memory_space<vmem>> -> memref<512xi32, #tpu.memory_space<vmem>>
    %dma_wait3A_468 = tpu.memref_slice %arg2[%add3A_203] : memref<425984xi32, #tpu.memory_space<hbm>> -> memref<512xi32, #tpu.memory_space<hbm>>
    tpu.wait_dma2 semaphore(%arg12 : memref<!tpu.dma_semaphore, #tpu.memory_space<semaphore_mem>>) src(%dma_wait3A_468 : memref<512xi32, #tpu.memory_space<hbm>>) dst(%dma_wait3A_467 : memref<512xi32, #tpu.memory_space<vmem>>)
    %scan3A = arith.constant 0 : i32
    %scan3A_469 = arith.constant 0 : i32
    %scan3A_470 = arith.constant 32 : i32
    %scan3A_471 = arith.addi %scan3A_469, %scan3A_470 : i32
    %scan3A_472 = arith.constant 1 : i32
    scf.for %scan3A_564 = %scan3A_469 to %scan3A_471 step %scan3A_472  : i32 {
      %mul3A_565 = arith.constant 16 : i32
      %mul3A_566 = arith.muli %scan3A_564, %mul3A_565 : i32
      %add3A_567 = arith.constant 512 : i32
      %add3A_568 = arith.addi %add3A_567, %mul3A_566 : i32
      %broadcast_in_dim3A = arith.constant 1048576 : i32
      %broadcast_in_dim3A_569 = vector.broadcast %broadcast_in_dim3A : i32 to vector<16xi32>
      %swap3A = arith.index_cast %add3A_568 : i32 to index
      %swap3A_570 = tpu.vector_load %arg7[%swap3A] {strides = array<i32>} : memref<13312xi32, #tpu.memory_space<vmem>>, vector<16xi32>,
      %swap3A_571 = vector.shape_cast %swap3A_570 : vector<16xi32> to vector<16xi32>
      %swap3A_572 = vector.shape_cast %broadcast_in_dim3A_569 : vector<16xi32> to vector<16xi32>
      tpu.vector_store %arg7[%swap3A], %swap3A_572 {add = true, strides = array<i32>} : memref<13312xi32, #tpu.memory_space<vmem>>, vector<16xi32>,
      %add3A_573 = arith.constant 1024 : i32
      %add3A_574 = arith.addi %add3A_573, %mul3A_566 : i32
      %broadcast_in_dim3A_575 = arith.constant 2097152 : i32
      %broadcast_in_dim3A_576 = vector.broadcast %broadcast_in_dim3A_575 : i32 to vector<16xi32>
      %swap3A_577 = arith.index_cast %add3A_574 : i32 to index
      %swap3A_578 = tpu.vector_load %arg7[%swap3A_577] {strides = array<i32>} : memref<13312xi32, #tpu.memory_space<vmem>>, vector<16xi32>,
      %swap3A_579 = vector.shape_cast %swap3A_578 : vector<16xi32> to vector<16xi32>
      %swap3A_580 = vector.shape_cast %broadcast_in_dim3A_576 : vector<16xi32> to vector<16xi32>
      tpu.vector_store %arg7[%swap3A_577], %swap3A_580 {add = true, strides = array<i32>} : memref<13312xi32, #tpu.memory_space<vmem>>, vector<16xi32>,
      %add3A_581 = arith.constant 1536 : i32
      %add3A_582 = arith.addi %add3A_581, %mul3A_566 : i32
      %broadcast_in_dim3A_583 = arith.constant 3145728 : i32
      %broadcast_in_dim3A_584 = vector.broadcast %broadcast_in_dim3A_583 : i32 to vector<16xi32>
      %swap3A_585 = arith.index_cast %add3A_582 : i32 to index
      %swap3A_586 = tpu.vector_load %arg7[%swap3A_585] {strides = array<i32>} : memref<13312xi32, #tpu.memory_space<vmem>>, vector<16xi32>,
      %swap3A_587 = vector.shape_cast %swap3A_586 : vector<16xi32> to vector<16xi32>
      %swap3A_588 = vector.shape_cast %broadcast_in_dim3A_584 : vector<16xi32> to vector<16xi32>
      tpu.vector_store %arg7[%swap3A_585], %swap3A_588 {add = true, strides = array<i32>} : memref<13312xi32, #tpu.memory_space<vmem>>, vector<16xi32>,
      %add3A_589 = arith.constant 2048 : i32
      %add3A_590 = arith.addi %add3A_589, %mul3A_566 : i32
      %broadcast_in_dim3A_591 = arith.constant 4194304 : i32
      %broadcast_in_dim3A_592 = vector.broadcast %broadcast_in_dim3A_591 : i32 to vector<16xi32>
      %swap3A_593 = arith.index_cast %add3A_590 : i32 to index
      %swap3A_594 = tpu.vector_load %arg7[%swap3A_593] {strides = array<i32>} : memref<13312xi32, #tpu.memory_space<vmem>>, vector<16xi32>,
      %swap3A_595 = vector.shape_cast %swap3A_594 : vector<16xi32> to vector<16xi32>
      %swap3A_596 = vector.shape_cast %broadcast_in_dim3A_592 : vector<16xi32> to vector<16xi32>
      tpu.vector_store %arg7[%swap3A_593], %swap3A_596 {add = true, strides = array<i32>} : memref<13312xi32, #tpu.memory_space<vmem>>, vector<16xi32>,
      %add3A_597 = arith.constant 2560 : i32
      %add3A_598 = arith.addi %add3A_597, %mul3A_566 : i32
      %broadcast_in_dim3A_599 = arith.constant 5242880 : i32
      %broadcast_in_dim3A_600 = vector.broadcast %broadcast_in_dim3A_599 : i32 to vector<16xi32>
      %swap3A_601 = arith.index_cast %add3A_598 : i32 to index
      %swap3A_602 = tpu.vector_load %arg7[%swap3A_601] {strides = array<i32>} : memref<13312xi32, #tpu.memory_space<vmem>>, vector<16xi32>,
      %swap3A_603 = vector.shape_cast %swap3A_602 : vector<16xi32> to vector<16xi32>
      %swap3A_604 = vector.shape_cast %broadcast_in_dim3A_600 : vector<16xi32> to vector<16xi32>
      tpu.vector_store %arg7[%swap3A_601], %swap3A_604 {add = true, strides = array<i32>} : memref<13312xi32, #tpu.memory_space<vmem>>, vector<16xi32>,
      %add3A_605 = arith.constant 3072 : i32
      %add3A_606 = arith.addi %add3A_605, %mul3A_566 : i32
      %broadcast_in_dim3A_607 = arith.constant 6291456 : i32
      %broadcast_in_dim3A_608 = vector.broadcast %broadcast_in_dim3A_607 : i32 to vector<16xi32>
      %swap3A_609 = arith.index_cast %add3A_606 : i32 to index
      %swap3A_610 = tpu.vector_load %arg7[%swap3A_609] {strides = array<i32>} : memref<13312xi32, #tpu.memory_space<vmem>>, vector<16xi32>,
      %swap3A_611 = vector.shape_cast %swap3A_610 : vector<16xi32> to vector<16xi32>
      %swap3A_612 = vector.shape_cast %broadcast_in_dim3A_608 : vector<16xi32> to vector<16xi32>
      tpu.vector_store %arg7[%swap3A_609], %swap3A_612 {add = true, strides = array<i32>} : memref<13312xi32, #tpu.memory_space<vmem>>, vector<16xi32>,
      %add3A_613 = arith.constant 3584 : i32
      %add3A_614 = arith.addi %add3A_613, %mul3A_566 : i32
      %broadcast_in_dim3A_615 = arith.constant 7340032 : i32
      %broadcast_in_dim3A_616 = vector.broadcast %broadcast_in_dim3A_615 : i32 to vector<16xi32>
      %swap3A_617 = arith.index_cast %add3A_614 : i32 to index
      %swap3A_618 = tpu.vector_load %arg7[%swap3A_617] {strides = array<i32>} : memref<13312xi32, #tpu.memory_space<vmem>>, vector<16xi32>,
      %swap3A_619 = vector.shape_cast %swap3A_618 : vector<16xi32> to vector<16xi32>
      %swap3A_620 = vector.shape_cast %broadcast_in_dim3A_616 : vector<16xi32> to vector<16xi32>
      tpu.vector_store %arg7[%swap3A_617], %swap3A_620 {add = true, strides = array<i32>} : memref<13312xi32, #tpu.memory_space<vmem>>, vector<16xi32>,
      %add3A_621 = arith.constant 4096 : i32
      %add3A_622 = arith.addi %add3A_621, %mul3A_566 : i32
      %broadcast_in_dim3A_623 = arith.constant 8388608 : i32
      %broadcast_in_dim3A_624 = vector.broadcast %broadcast_in_dim3A_623 : i32 to vector<16xi32>
      %swap3A_625 = arith.index_cast %add3A_622 : i32 to index
      %swap3A_626 = tpu.vector_load %arg7[%swap3A_625] {strides = array<i32>} : memref<13312xi32, #tpu.memory_space<vmem>>, vector<16xi32>,
      %swap3A_627 = vector.shape_cast %swap3A_626 : vector<16xi32> to vector<16xi32>
      %swap3A_628 = vector.shape_cast %broadcast_in_dim3A_624 : vector<16xi32> to vector<16xi32>
      tpu.vector_store %arg7[%swap3A_625], %swap3A_628 {add = true, strides = array<i32>} : memref<13312xi32, #tpu.memory_space<vmem>>, vector<16xi32>,
      %add3A_629 = arith.constant 4608 : i32
      %add3A_630 = arith.addi %add3A_629, %mul3A_566 : i32
      %broadcast_in_dim3A_631 = arith.constant 9437184 : i32
      %broadcast_in_dim3A_632 = vector.broadcast %broadcast_in_dim3A_631 : i32 to vector<16xi32>
      %swap3A_633 = arith.index_cast %add3A_630 : i32 to index
      %swap3A_634 = tpu.vector_load %arg7[%swap3A_633] {strides = array<i32>} : memref<13312xi32, #tpu.memory_space<vmem>>, vector<16xi32>,
      %swap3A_635 = vector.shape_cast %swap3A_634 : vector<16xi32> to vector<16xi32>
      %swap3A_636 = vector.shape_cast %broadcast_in_dim3A_632 : vector<16xi32> to vector<16xi32>
      tpu.vector_store %arg7[%swap3A_633], %swap3A_636 {add = true, strides = array<i32>} : memref<13312xi32, #tpu.memory_space<vmem>>, vector<16xi32>,
      %add3A_637 = arith.constant 5120 : i32
      %add3A_638 = arith.addi %add3A_637, %mul3A_566 : i32
      %broadcast_in_dim3A_639 = arith.constant 10485760 : i32
      %broadcast_in_dim3A_640 = vector.broadcast %broadcast_in_dim3A_639 : i32 to vector<16xi32>
      %swap3A_641 = arith.index_cast %add3A_638 : i32 to index
      %swap3A_642 = tpu.vector_load %arg7[%swap3A_641] {strides = array<i32>} : memref<13312xi32, #tpu.memory_space<vmem>>, vector<16xi32>,
      %swap3A_643 = vector.shape_cast %swap3A_642 : vector<16xi32> to vector<16xi32>
      %swap3A_644 = vector.shape_cast %broadcast_in_dim3A_640 : vector<16xi32> to vector<16xi32>
      tpu.vector_store %arg7[%swap3A_641], %swap3A_644 {add = true, strides = array<i32>} : memref<13312xi32, #tpu.memory_space<vmem>>, vector<16xi32>,
      %add3A_645 = arith.constant 5632 : i32
      %add3A_646 = arith.addi %add3A_645, %mul3A_566 : i32
      %broadcast_in_dim3A_647 = arith.constant 11534336 : i32
      %broadcast_in_dim3A_648 = vector.broadcast %broadcast_in_dim3A_647 : i32 to vector<16xi32>
      %swap3A_649 = arith.index_cast %add3A_646 : i32 to index
      %swap3A_650 = tpu.vector_load %arg7[%swap3A_649] {strides = array<i32>} : memref<13312xi32, #tpu.memory_space<vmem>>, vector<16xi32>,
      %swap3A_651 = vector.shape_cast %swap3A_650 : vector<16xi32> to vector<16xi32>
      %swap3A_652 = vector.shape_cast %broadcast_in_dim3A_648 : vector<16xi32> to vector<16xi32>
      tpu.vector_store %arg7[%swap3A_649], %swap3A_652 {add = true, strides = array<i32>} : memref<13312xi32, #tpu.memory_space<vmem>>, vector<16xi32>,
      %add3A_653 = arith.constant 6144 : i32
      %add3A_654 = arith.addi %add3A_653, %mul3A_566 : i32
      %broadcast_in_dim3A_655 = arith.constant 12582912 : i32
      %broadcast_in_dim3A_656 = vector.broadcast %broadcast_in_dim3A_655 : i32 to vector<16xi32>
      %swap3A_657 = arith.index_cast %add3A_654 : i32 to index
      %swap3A_658 = tpu.vector_load %arg7[%swap3A_657] {strides = array<i32>} : memref<13312xi32, #tpu.memory_space<vmem>>, vector<16xi32>,
      %swap3A_659 = vector.shape_cast %swap3A_658 : vector<16xi32> to vector<16xi32>
      %swap3A_660 = vector.shape_cast %broadcast_in_dim3A_656 : vector<16xi32> to vector<16xi32>
      tpu.vector_store %arg7[%swap3A_657], %swap3A_660 {add = true, strides = array<i32>} : memref<13312xi32, #tpu.memory_space<vmem>>, vector<16xi32>,
      %add3A_661 = arith.constant 6656 : i32
      %add3A_662 = arith.addi %add3A_661, %mul3A_566 : i32
      %broadcast_in_dim3A_663 = arith.constant 13631488 : i32
      %broadcast_in_dim3A_664 = vector.broadcast %broadcast_in_dim3A_663 : i32 to vector<16xi32>
      %swap3A_665 = arith.index_cast %add3A_662 : i32 to index
      %swap3A_666 = tpu.vector_load %arg7[%swap3A_665] {strides = array<i32>} : memref<13312xi32, #tpu.memory_space<vmem>>, vector<16xi32>,
      %swap3A_667 = vector.shape_cast %swap3A_666 : vector<16xi32> to vector<16xi32>
      %swap3A_668 = vector.shape_cast %broadcast_in_dim3A_664 : vector<16xi32> to vector<16xi32>
      tpu.vector_store %arg7[%swap3A_665], %swap3A_668 {add = true, strides = array<i32>} : memref<13312xi32, #tpu.memory_space<vmem>>, vector<16xi32>,
      %add3A_669 = arith.constant 7168 : i32
      %add3A_670 = arith.addi %add3A_669, %mul3A_566 : i32
      %broadcast_in_dim3A_671 = arith.constant 14680064 : i32
      %broadcast_in_dim3A_672 = vector.broadcast %broadcast_in_dim3A_671 : i32 to vector<16xi32>
      %swap3A_673 = arith.index_cast %add3A_670 : i32 to index
      %swap3A_674 = tpu.vector_load %arg7[%swap3A_673] {strides = array<i32>} : memref<13312xi32, #tpu.memory_space<vmem>>, vector<16xi32>,
      %swap3A_675 = vector.shape_cast %swap3A_674 : vector<16xi32> to vector<16xi32>
      %swap3A_676 = vector.shape_cast %broadcast_in_dim3A_672 : vector<16xi32> to vector<16xi32>
      tpu.vector_store %arg7[%swap3A_673], %swap3A_676 {add = true, strides = array<i32>} : memref<13312xi32, #tpu.memory_space<vmem>>, vector<16xi32>,
      %add3A_677 = arith.constant 7680 : i32
      %add3A_678 = arith.addi %add3A_677, %mul3A_566 : i32
      %broadcast_in_dim3A_679 = arith.constant 15728640 : i32
      %broadcast_in_dim3A_680 = vector.broadcast %broadcast_in_dim3A_679 : i32 to vector<16xi32>
      %swap3A_681 = arith.index_cast %add3A_678 : i32 to index
      %swap3A_682 = tpu.vector_load %arg7[%swap3A_681] {strides = array<i32>} : memref<13312xi32, #tpu.memory_space<vmem>>, vector<16xi32>,
      %swap3A_683 = vector.shape_cast %swap3A_682 : vector<16xi32> to vector<16xi32>
      %swap3A_684 = vector.shape_cast %broadcast_in_dim3A_680 : vector<16xi32> to vector<16xi32>
      tpu.vector_store %arg7[%swap3A_681], %swap3A_684 {add = true, strides = array<i32>} : memref<13312xi32, #tpu.memory_space<vmem>>, vector<16xi32>,
      %add3A_685 = arith.constant 8192 : i32
      %add3A_686 = arith.addi %add3A_685, %mul3A_566 : i32
      %broadcast_in_dim3A_687 = arith.constant 16777216 : i32
      %broadcast_in_dim3A_688 = vector.broadcast %broadcast_in_dim3A_687 : i32 to vector<16xi32>
      %swap3A_689 = arith.index_cast %add3A_686 : i32 to index
      %swap3A_690 = tpu.vector_load %arg7[%swap3A_689] {strides = array<i32>} : memref<13312xi32, #tpu.memory_space<vmem>>, vector<16xi32>,
      %swap3A_691 = vector.shape_cast %swap3A_690 : vector<16xi32> to vector<16xi32>
      %swap3A_692 = vector.shape_cast %broadcast_in_dim3A_688 : vector<16xi32> to vector<16xi32>
      tpu.vector_store %arg7[%swap3A_689], %swap3A_692 {add = true, strides = array<i32>} : memref<13312xi32, #tpu.memory_space<vmem>>, vector<16xi32>,
      %add3A_693 = arith.constant 8704 : i32
      %add3A_694 = arith.addi %add3A_693, %mul3A_566 : i32
      %broadcast_in_dim3A_695 = arith.constant 17825792 : i32
      %broadcast_in_dim3A_696 = vector.broadcast %broadcast_in_dim3A_695 : i32 to vector<16xi32>
      %swap3A_697 = arith.index_cast %add3A_694 : i32 to index
      %swap3A_698 = tpu.vector_load %arg7[%swap3A_697] {strides = array<i32>} : memref<13312xi32, #tpu.memory_space<vmem>>, vector<16xi32>,
      %swap3A_699 = vector.shape_cast %swap3A_698 : vector<16xi32> to vector<16xi32>
      %swap3A_700 = vector.shape_cast %broadcast_in_dim3A_696 : vector<16xi32> to vector<16xi32>
      tpu.vector_store %arg7[%swap3A_697], %swap3A_700 {add = true, strides = array<i32>} : memref<13312xi32, #tpu.memory_space<vmem>>, vector<16xi32>,
      %add3A_701 = arith.constant 9216 : i32
      %add3A_702 = arith.addi %add3A_701, %mul3A_566 : i32
      %broadcast_in_dim3A_703 = arith.constant 18874368 : i32
      %broadcast_in_dim3A_704 = vector.broadcast %broadcast_in_dim3A_703 : i32 to vector<16xi32>
      %swap3A_705 = arith.index_cast %add3A_702 : i32 to index
      %swap3A_706 = tpu.vector_load %arg7[%swap3A_705] {strides = array<i32>} : memref<13312xi32, #tpu.memory_space<vmem>>, vector<16xi32>,
      %swap3A_707 = vector.shape_cast %swap3A_706 : vector<16xi32> to vector<16xi32>
      %swap3A_708 = vector.shape_cast %broadcast_in_dim3A_704 : vector<16xi32> to vector<16xi32>
      tpu.vector_store %arg7[%swap3A_705], %swap3A_708 {add = true, strides = array<i32>} : memref<13312xi32, #tpu.memory_space<vmem>>, vector<16xi32>,
      %add3A_709 = arith.constant 9728 : i32
      %add3A_710 = arith.addi %add3A_709, %mul3A_566 : i32
      %broadcast_in_dim3A_711 = arith.constant 19922944 : i32
      %broadcast_in_dim3A_712 = vector.broadcast %broadcast_in_dim3A_711 : i32 to vector<16xi32>
      %swap3A_713 = arith.index_cast %add3A_710 : i32 to index
      %swap3A_714 = tpu.vector_load %arg7[%swap3A_713] {strides = array<i32>} : memref<13312xi32, #tpu.memory_space<vmem>>, vector<16xi32>,
      %swap3A_715 = vector.shape_cast %swap3A_714 : vector<16xi32> to vector<16xi32>
      %swap3A_716 = vector.shape_cast %broadcast_in_dim3A_712 : vector<16xi32> to vector<16xi32>
      tpu.vector_store %arg7[%swap3A_713], %swap3A_716 {add = true, strides = array<i32>} : memref<13312xi32, #tpu.memory_space<vmem>>, vector<16xi32>,
      %add3A_717 = arith.constant 10240 : i32
      %add3A_718 = arith.addi %add3A_717, %mul3A_566 : i32
      %broadcast_in_dim3A_719 = arith.constant 20971520 : i32
      %broadcast_in_dim3A_720 = vector.broadcast %broadcast_in_dim3A_719 : i32 to vector<16xi32>
      %swap3A_721 = arith.index_cast %add3A_718 : i32 to index
      %swap3A_722 = tpu.vector_load %arg7[%swap3A_721] {strides = array<i32>} : memref<13312xi32, #tpu.memory_space<vmem>>, vector<16xi32>,
      %swap3A_723 = vector.shape_cast %swap3A_722 : vector<16xi32> to vector<16xi32>
      %swap3A_724 = vector.shape_cast %broadcast_in_dim3A_720 : vector<16xi32> to vector<16xi32>
      tpu.vector_store %arg7[%swap3A_721], %swap3A_724 {add = true, strides = array<i32>} : memref<13312xi32, #tpu.memory_space<vmem>>, vector<16xi32>,
      %add3A_725 = arith.constant 10752 : i32
      %add3A_726 = arith.addi %add3A_725, %mul3A_566 : i32
      %broadcast_in_dim3A_727 = arith.constant 22020096 : i32
      %broadcast_in_dim3A_728 = vector.broadcast %broadcast_in_dim3A_727 : i32 to vector<16xi32>
      %swap3A_729 = arith.index_cast %add3A_726 : i32 to index
      %swap3A_730 = tpu.vector_load %arg7[%swap3A_729] {strides = array<i32>} : memref<13312xi32, #tpu.memory_space<vmem>>, vector<16xi32>,
      %swap3A_731 = vector.shape_cast %swap3A_730 : vector<16xi32> to vector<16xi32>
      %swap3A_732 = vector.shape_cast %broadcast_in_dim3A_728 : vector<16xi32> to vector<16xi32>
      tpu.vector_store %arg7[%swap3A_729], %swap3A_732 {add = true, strides = array<i32>} : memref<13312xi32, #tpu.memory_space<vmem>>, vector<16xi32>,
      %add3A_733 = arith.constant 11264 : i32
      %add3A_734 = arith.addi %add3A_733, %mul3A_566 : i32
      %broadcast_in_dim3A_735 = arith.constant 23068672 : i32
      %broadcast_in_dim3A_736 = vector.broadcast %broadcast_in_dim3A_735 : i32 to vector<16xi32>
      %swap3A_737 = arith.index_cast %add3A_734 : i32 to index
      %swap3A_738 = tpu.vector_load %arg7[%swap3A_737] {strides = array<i32>} : memref<13312xi32, #tpu.memory_space<vmem>>, vector<16xi32>,
      %swap3A_739 = vector.shape_cast %swap3A_738 : vector<16xi32> to vector<16xi32>
      %swap3A_740 = vector.shape_cast %broadcast_in_dim3A_736 : vector<16xi32> to vector<16xi32>
      tpu.vector_store %arg7[%swap3A_737], %swap3A_740 {add = true, strides = array<i32>} : memref<13312xi32, #tpu.memory_space<vmem>>, vector<16xi32>,
      %add3A_741 = arith.constant 11776 : i32
      %add3A_742 = arith.addi %add3A_741, %mul3A_566 : i32
      %broadcast_in_dim3A_743 = arith.constant 24117248 : i32
      %broadcast_in_dim3A_744 = vector.broadcast %broadcast_in_dim3A_743 : i32 to vector<16xi32>
      %swap3A_745 = arith.index_cast %add3A_742 : i32 to index
      %swap3A_746 = tpu.vector_load %arg7[%swap3A_745] {strides = array<i32>} : memref<13312xi32, #tpu.memory_space<vmem>>, vector<16xi32>,
      %swap3A_747 = vector.shape_cast %swap3A_746 : vector<16xi32> to vector<16xi32>
      %swap3A_748 = vector.shape_cast %broadcast_in_dim3A_744 : vector<16xi32> to vector<16xi32>
      tpu.vector_store %arg7[%swap3A_745], %swap3A_748 {add = true, strides = array<i32>} : memref<13312xi32, #tpu.memory_space<vmem>>, vector<16xi32>,
      %add3A_749 = arith.constant 12288 : i32
      %add3A_750 = arith.addi %add3A_749, %mul3A_566 : i32
      %broadcast_in_dim3A_751 = arith.constant 25165824 : i32
      %broadcast_in_dim3A_752 = vector.broadcast %broadcast_in_dim3A_751 : i32 to vector<16xi32>
      %swap3A_753 = arith.index_cast %add3A_750 : i32 to index
      %swap3A_754 = tpu.vector_load %arg7[%swap3A_753] {strides = array<i32>} : memref<13312xi32, #tpu.memory_space<vmem>>, vector<16xi32>,
      %swap3A_755 = vector.shape_cast %swap3A_754 : vector<16xi32> to vector<16xi32>
      %swap3A_756 = vector.shape_cast %broadcast_in_dim3A_752 : vector<16xi32> to vector<16xi32>
      tpu.vector_store %arg7[%swap3A_753], %swap3A_756 {add = true, strides = array<i32>} : memref<13312xi32, #tpu.memory_space<vmem>>, vector<16xi32>,
      %add3A_757 = arith.constant 12800 : i32
      %add3A_758 = arith.addi %add3A_757, %mul3A_566 : i32
      %broadcast_in_dim3A_759 = arith.constant 26214400 : i32
      %broadcast_in_dim3A_760 = vector.broadcast %broadcast_in_dim3A_759 : i32 to vector<16xi32>
      %swap3A_761 = arith.index_cast %add3A_758 : i32 to index
      %swap3A_762 = tpu.vector_load %arg7[%swap3A_761] {strides = array<i32>} : memref<13312xi32, #tpu.memory_space<vmem>>, vector<16xi32>,
      %swap3A_763 = vector.shape_cast %swap3A_762 : vector<16xi32> to vector<16xi32>
      %swap3A_764 = vector.shape_cast %broadcast_in_dim3A_760 : vector<16xi32> to vector<16xi32>
      tpu.vector_store %arg7[%swap3A_761], %swap3A_764 {add = true, strides = array<i32>} : memref<13312xi32, #tpu.memory_space<vmem>>, vector<16xi32>,
    }
    %scan3A_473 = arith.constant 32 : i32
    %dma_start3A_474 = arith.constant 0 : i32
    %dma_start3A_475 = tpu.memref_slice %arg3[%dma_start3A_474] : memref<27262976xf32, #tpu.memory_space<hbm>> -> memref<27262976xf32, #tpu.memory_space<hbm>>
    tpu.enqueue_indirect_dma source(%dma_start3A_475 : memref<27262976xf32, #tpu.memory_space<hbm>>) target(%arg8 : memref<13312xf32, #tpu.memory_space<vmem>>) offsets(%arg7 : memref<13312xi32, #tpu.memory_space<vmem>>) semaphore(%arg12 : memref<!tpu.dma_semaphore, #tpu.memory_space<semaphore_mem>>)
    %dma_wait3A_476 = arith.constant 0 : i32
    %dma_wait3A_477 = tpu.memref_slice %arg3[%dma_wait3A_476] : memref<27262976xf32, #tpu.memory_space<hbm>> -> memref<27262976xf32, #tpu.memory_space<hbm>>
    tpu.wait_indirect_dma semaphore(%arg12 : memref<!tpu.dma_semaphore, #tpu.memory_space<semaphore_mem>>) src(%dma_wait3A_477 : memref<27262976xf32, #tpu.memory_space<hbm>>) dst(%arg8 : memref<13312xf32, #tpu.memory_space<vmem>>)
    %dma_wait3A_478 = arith.constant 0 : i32
    %dma_wait3A_479 = tpu.memref_slice %arg9[%dma_wait3A_478] : memref<6656xf32, #tpu.memory_space<vmem>> -> memref<512xf32, #tpu.memory_space<vmem>>
    %dma_wait3A_480 = tpu.memref_slice %arg4[%add3A_211] : memref<212992xf32, #tpu.memory_space<hbm>> -> memref<512xf32, #tpu.memory_space<hbm>>
    %dma_wait3A_481 = arith.constant 0 : i32
    %dma_wait3A_482 = tpu.memref_slice %arg9[%dma_wait3A_481] : memref<6656xf32, #tpu.memory_space<vmem>> -> memref<512xf32, #tpu.memory_space<vmem>>
    %dma_wait3A_483 = tpu.memref_slice %arg4[%add3A_211] : memref<212992xf32, #tpu.memory_space<hbm>> -> memref<512xf32, #tpu.memory_space<hbm>>
    tpu.wait_dma2 semaphore(%arg13 : memref<!tpu.dma_semaphore, #tpu.memory_space<semaphore_mem>>) src(%dma_wait3A_483 : memref<512xf32, #tpu.memory_space<hbm>>) dst(%dma_wait3A_482 : memref<512xf32, #tpu.memory_space<vmem>>)
    %dma_wait3A_484 = arith.constant 512 : i32
    %dma_wait3A_485 = tpu.memref_slice %arg9[%dma_wait3A_484] : memref<6656xf32, #tpu.memory_space<vmem>> -> memref<512xf32, #tpu.memory_space<vmem>>
    %dma_wait3A_486 = tpu.memref_slice %arg4[%add3A_219] : memref<212992xf32, #tpu.memory_space<hbm>> -> memref<512xf32, #tpu.memory_space<hbm>>
    %dma_wait3A_487 = arith.constant 512 : i32
    %dma_wait3A_488 = tpu.memref_slice %arg9[%dma_wait3A_487] : memref<6656xf32, #tpu.memory_space<vmem>> -> memref<512xf32, #tpu.memory_space<vmem>>
    %dma_wait3A_489 = tpu.memref_slice %arg4[%add3A_219] : memref<212992xf32, #tpu.memory_space<hbm>> -> memref<512xf32, #tpu.memory_space<hbm>>
    tpu.wait_dma2 semaphore(%arg13 : memref<!tpu.dma_semaphore, #tpu.memory_space<semaphore_mem>>) src(%dma_wait3A_489 : memref<512xf32, #tpu.memory_space<hbm>>) dst(%dma_wait3A_488 : memref<512xf32, #tpu.memory_space<vmem>>)
    %dma_wait3A_490 = arith.constant 1024 : i32
    %dma_wait3A_491 = tpu.memref_slice %arg9[%dma_wait3A_490] : memref<6656xf32, #tpu.memory_space<vmem>> -> memref<512xf32, #tpu.memory_space<vmem>>
    %dma_wait3A_492 = tpu.memref_slice %arg4[%add3A_227] : memref<212992xf32, #tpu.memory_space<hbm>> -> memref<512xf32, #tpu.memory_space<hbm>>
    %dma_wait3A_493 = arith.constant 1024 : i32
    %dma_wait3A_494 = tpu.memref_slice %arg9[%dma_wait3A_493] : memref<6656xf32, #tpu.memory_space<vmem>> -> memref<512xf32, #tpu.memory_space<vmem>>
    %dma_wait3A_495 = tpu.memref_slice %arg4[%add3A_227] : memref<212992xf32, #tpu.memory_space<hbm>> -> memref<512xf32, #tpu.memory_space<hbm>>
    tpu.wait_dma2 semaphore(%arg13 : memref<!tpu.dma_semaphore, #tpu.memory_space<semaphore_mem>>) src(%dma_wait3A_495 : memref<512xf32, #tpu.memory_space<hbm>>) dst(%dma_wait3A_494 : memref<512xf32, #tpu.memory_space<vmem>>)
    %dma_wait3A_496 = arith.constant 1536 : i32
    %dma_wait3A_497 = tpu.memref_slice %arg9[%dma_wait3A_496] : memref<6656xf32, #tpu.memory_space<vmem>> -> memref<512xf32, #tpu.memory_space<vmem>>
    %dma_wait3A_498 = tpu.memref_slice %arg4[%add3A_235] : memref<212992xf32, #tpu.memory_space<hbm>> -> memref<512xf32, #tpu.memory_space<hbm>>
    %dma_wait3A_499 = arith.constant 1536 : i32
    %dma_wait3A_500 = tpu.memref_slice %arg9[%dma_wait3A_499] : memref<6656xf32, #tpu.memory_space<vmem>> -> memref<512xf32, #tpu.memory_space<vmem>>
    %dma_wait3A_501 = tpu.memref_slice %arg4[%add3A_235] : memref<212992xf32, #tpu.memory_space<hbm>> -> memref<512xf32, #tpu.memory_space<hbm>>
    tpu.wait_dma2 semaphore(%arg13 : memref<!tpu.dma_semaphore, #tpu.memory_space<semaphore_mem>>) src(%dma_wait3A_501 : memref<512xf32, #tpu.memory_space<hbm>>) dst(%dma_wait3A_500 : memref<512xf32, #tpu.memory_space<vmem>>)
    %dma_wait3A_502 = arith.constant 2048 : i32
    %dma_wait3A_503 = tpu.memref_slice %arg9[%dma_wait3A_502] : memref<6656xf32, #tpu.memory_space<vmem>> -> memref<512xf32, #tpu.memory_space<vmem>>
    %dma_wait3A_504 = tpu.memref_slice %arg4[%add3A_243] : memref<212992xf32, #tpu.memory_space<hbm>> -> memref<512xf32, #tpu.memory_space<hbm>>
    %dma_wait3A_505 = arith.constant 2048 : i32
    %dma_wait3A_506 = tpu.memref_slice %arg9[%dma_wait3A_505] : memref<6656xf32, #tpu.memory_space<vmem>> -> memref<512xf32, #tpu.memory_space<vmem>>
    %dma_wait3A_507 = tpu.memref_slice %arg4[%add3A_243] : memref<212992xf32, #tpu.memory_space<hbm>> -> memref<512xf32, #tpu.memory_space<hbm>>
    tpu.wait_dma2 semaphore(%arg13 : memref<!tpu.dma_semaphore, #tpu.memory_space<semaphore_mem>>) src(%dma_wait3A_507 : memref<512xf32, #tpu.memory_space<hbm>>) dst(%dma_wait3A_506 : memref<512xf32, #tpu.memory_space<vmem>>)
    %dma_wait3A_508 = arith.constant 2560 : i32
    %dma_wait3A_509 = tpu.memref_slice %arg9[%dma_wait3A_508] : memref<6656xf32, #tpu.memory_space<vmem>> -> memref<512xf32, #tpu.memory_space<vmem>>
    %dma_wait3A_510 = tpu.memref_slice %arg4[%add3A_251] : memref<212992xf32, #tpu.memory_space<hbm>> -> memref<512xf32, #tpu.memory_space<hbm>>
    %dma_wait3A_511 = arith.constant 2560 : i32
    %dma_wait3A_512 = tpu.memref_slice %arg9[%dma_wait3A_511] : memref<6656xf32, #tpu.memory_space<vmem>> -> memref<512xf32, #tpu.memory_space<vmem>>
    %dma_wait3A_513 = tpu.memref_slice %arg4[%add3A_251] : memref<212992xf32, #tpu.memory_space<hbm>> -> memref<512xf32, #tpu.memory_space<hbm>>
    tpu.wait_dma2 semaphore(%arg13 : memref<!tpu.dma_semaphore, #tpu.memory_space<semaphore_mem>>) src(%dma_wait3A_513 : memref<512xf32, #tpu.memory_space<hbm>>) dst(%dma_wait3A_512 : memref<512xf32, #tpu.memory_space<vmem>>)
    %dma_wait3A_514 = arith.constant 3072 : i32
    %dma_wait3A_515 = tpu.memref_slice %arg9[%dma_wait3A_514] : memref<6656xf32, #tpu.memory_space<vmem>> -> memref<512xf32, #tpu.memory_space<vmem>>
    %dma_wait3A_516 = tpu.memref_slice %arg4[%add3A_259] : memref<212992xf32, #tpu.memory_space<hbm>> -> memref<512xf32, #tpu.memory_space<hbm>>
    %dma_wait3A_517 = arith.constant 3072 : i32
    %dma_wait3A_518 = tpu.memref_slice %arg9[%dma_wait3A_517] : memref<6656xf32, #tpu.memory_space<vmem>> -> memref<512xf32, #tpu.memory_space<vmem>>
    %dma_wait3A_519 = tpu.memref_slice %arg4[%add3A_259] : memref<212992xf32, #tpu.memory_space<hbm>> -> memref<512xf32, #tpu.memory_space<hbm>>
    tpu.wait_dma2 semaphore(%arg13 : memref<!tpu.dma_semaphore, #tpu.memory_space<semaphore_mem>>) src(%dma_wait3A_519 : memref<512xf32, #tpu.memory_space<hbm>>) dst(%dma_wait3A_518 : memref<512xf32, #tpu.memory_space<vmem>>)
    %dma_wait3A_520 = arith.constant 3584 : i32
    %dma_wait3A_521 = tpu.memref_slice %arg9[%dma_wait3A_520] : memref<6656xf32, #tpu.memory_space<vmem>> -> memref<512xf32, #tpu.memory_space<vmem>>
    %dma_wait3A_522 = tpu.memref_slice %arg4[%add3A_267] : memref<212992xf32, #tpu.memory_space<hbm>> -> memref<512xf32, #tpu.memory_space<hbm>>
    %dma_wait3A_523 = arith.constant 3584 : i32
    %dma_wait3A_524 = tpu.memref_slice %arg9[%dma_wait3A_523] : memref<6656xf32, #tpu.memory_space<vmem>> -> memref<512xf32, #tpu.memory_space<vmem>>
    %dma_wait3A_525 = tpu.memref_slice %arg4[%add3A_267] : memref<212992xf32, #tpu.memory_space<hbm>> -> memref<512xf32, #tpu.memory_space<hbm>>
    tpu.wait_dma2 semaphore(%arg13 : memref<!tpu.dma_semaphore, #tpu.memory_space<semaphore_mem>>) src(%dma_wait3A_525 : memref<512xf32, #tpu.memory_space<hbm>>) dst(%dma_wait3A_524 : memref<512xf32, #tpu.memory_space<vmem>>)
    %dma_wait3A_526 = arith.constant 4096 : i32
    %dma_wait3A_527 = tpu.memref_slice %arg9[%dma_wait3A_526] : memref<6656xf32, #tpu.memory_space<vmem>> -> memref<512xf32, #tpu.memory_space<vmem>>
    %dma_wait3A_528 = tpu.memref_slice %arg4[%add3A_275] : memref<212992xf32, #tpu.memory_space<hbm>> -> memref<512xf32, #tpu.memory_space<hbm>>
    %dma_wait3A_529 = arith.constant 4096 : i32
    %dma_wait3A_530 = tpu.memref_slice %arg9[%dma_wait3A_529] : memref<6656xf32, #tpu.memory_space<vmem>> -> memref<512xf32, #tpu.memory_space<vmem>>
    %dma_wait3A_531 = tpu.memref_slice %arg4[%add3A_275] : memref<212992xf32, #tpu.memory_space<hbm>> -> memref<512xf32, #tpu.memory_space<hbm>>
    tpu.wait_dma2 semaphore(%arg13 : memref<!tpu.dma_semaphore, #tpu.memory_space<semaphore_mem>>) src(%dma_wait3A_531 : memref<512xf32, #tpu.memory_space<hbm>>) dst(%dma_wait3A_530 : memref<512xf32, #tpu.memory_space<vmem>>)
    %dma_wait3A_532 = arith.constant 4608 : i32
    %dma_wait3A_533 = tpu.memref_slice %arg9[%dma_wait3A_532] : memref<6656xf32, #tpu.memory_space<vmem>> -> memref<512xf32, #tpu.memory_space<vmem>>
    %dma_wait3A_534 = tpu.memref_slice %arg4[%add3A_283] : memref<212992xf32, #tpu.memory_space<hbm>> -> memref<512xf32, #tpu.memory_space<hbm>>
    %dma_wait3A_535 = arith.constant 4608 : i32
    %dma_wait3A_536 = tpu.memref_slice %arg9[%dma_wait3A_535] : memref<6656xf32, #tpu.memory_space<vmem>> -> memref<512xf32, #tpu.memory_space<vmem>>
    %dma_wait3A_537 = tpu.memref_slice %arg4[%add3A_283] : memref<212992xf32, #tpu.memory_space<hbm>> -> memref<512xf32, #tpu.memory_space<hbm>>
    tpu.wait_dma2 semaphore(%arg13 : memref<!tpu.dma_semaphore, #tpu.memory_space<semaphore_mem>>) src(%dma_wait3A_537 : memref<512xf32, #tpu.memory_space<hbm>>) dst(%dma_wait3A_536 : memref<512xf32, #tpu.memory_space<vmem>>)
    %dma_wait3A_538 = arith.constant 5120 : i32
    %dma_wait3A_539 = tpu.memref_slice %arg9[%dma_wait3A_538] : memref<6656xf32, #tpu.memory_space<vmem>> -> memref<512xf32, #tpu.memory_space<vmem>>
    %dma_wait3A_540 = tpu.memref_slice %arg4[%add3A_291] : memref<212992xf32, #tpu.memory_space<hbm>> -> memref<512xf32, #tpu.memory_space<hbm>>
    %dma_wait3A_541 = arith.constant 5120 : i32
    %dma_wait3A_542 = tpu.memref_slice %arg9[%dma_wait3A_541] : memref<6656xf32, #tpu.memory_space<vmem>> -> memref<512xf32, #tpu.memory_space<vmem>>
    %dma_wait3A_543 = tpu.memref_slice %arg4[%add3A_291] : memref<212992xf32, #tpu.memory_space<hbm>> -> memref<512xf32, #tpu.memory_space<hbm>>
    tpu.wait_dma2 semaphore(%arg13 : memref<!tpu.dma_semaphore, #tpu.memory_space<semaphore_mem>>) src(%dma_wait3A_543 : memref<512xf32, #tpu.memory_space<hbm>>) dst(%dma_wait3A_542 : memref<512xf32, #tpu.memory_space<vmem>>)
    %dma_wait3A_544 = arith.constant 5632 : i32
    %dma_wait3A_545 = tpu.memref_slice %arg9[%dma_wait3A_544] : memref<6656xf32, #tpu.memory_space<vmem>> -> memref<512xf32, #tpu.memory_space<vmem>>
    %dma_wait3A_546 = tpu.memref_slice %arg4[%add3A_299] : memref<212992xf32, #tpu.memory_space<hbm>> -> memref<512xf32, #tpu.memory_space<hbm>>
    %dma_wait3A_547 = arith.constant 5632 : i32
    %dma_wait3A_548 = tpu.memref_slice %arg9[%dma_wait3A_547] : memref<6656xf32, #tpu.memory_space<vmem>> -> memref<512xf32, #tpu.memory_space<vmem>>
    %dma_wait3A_549 = tpu.memref_slice %arg4[%add3A_299] : memref<212992xf32, #tpu.memory_space<hbm>> -> memref<512xf32, #tpu.memory_space<hbm>>
    tpu.wait_dma2 semaphore(%arg13 : memref<!tpu.dma_semaphore, #tpu.memory_space<semaphore_mem>>) src(%dma_wait3A_549 : memref<512xf32, #tpu.memory_space<hbm>>) dst(%dma_wait3A_548 : memref<512xf32, #tpu.memory_space<vmem>>)
    %dma_wait3A_550 = arith.constant 6144 : i32
    %dma_wait3A_551 = tpu.memref_slice %arg9[%dma_wait3A_550] : memref<6656xf32, #tpu.memory_space<vmem>> -> memref<512xf32, #tpu.memory_space<vmem>>
    %dma_wait3A_552 = tpu.memref_slice %arg4[%add3A_307] : memref<212992xf32, #tpu.memory_space<hbm>> -> memref<512xf32, #tpu.memory_space<hbm>>
    %dma_wait3A_553 = arith.constant 6144 : i32
    %dma_wait3A_554 = tpu.memref_slice %arg9[%dma_wait3A_553] : memref<6656xf32, #tpu.memory_space<vmem>> -> memref<512xf32, #tpu.memory_space<vmem>>
    %dma_wait3A_555 = tpu.memref_slice %arg4[%add3A_307] : memref<212992xf32, #tpu.memory_space<hbm>> -> memref<512xf32, #tpu.memory_space<hbm>>
    tpu.wait_dma2 semaphore(%arg13 : memref<!tpu.dma_semaphore, #tpu.memory_space<semaphore_mem>>) src(%dma_wait3A_555 : memref<512xf32, #tpu.memory_space<hbm>>) dst(%dma_wait3A_554 : memref<512xf32, #tpu.memory_space<vmem>>)
    tpu.wait_dma2 semaphore(%arg13 : memref<!tpu.dma_semaphore, #tpu.memory_space<semaphore_mem>>) src(%arg5 : memref<16xf32, #tpu.memory_space<hbm>>) dst(%arg10 : memref<16xf32, #tpu.memory_space<vmem>>)
    %get3A = arith.constant 0 : index
    %get3A_556 = tpu.vector_load %arg10[%get3A] {strides = array<i32>} : memref<16xf32, #tpu.memory_space<vmem>>, vector<16xf32>,
    %get3A_557 = vector.shape_cast %get3A_556 : vector<16xf32> to vector<16xf32>
    %scan3A_558 = arith.constant 0 : i32
    %scan3A_559 = arith.constant 0 : i32
    %scan3A_560 = arith.constant 32 : i32
    %scan3A_561 = arith.addi %scan3A_559, %scan3A_560 : i32
    %scan3A_562 = arith.constant 1 : i32
    scf.for %scan3A_564 = %scan3A_559 to %scan3A_561 step %scan3A_562  : i32 {
      %mul3A_565 = arith.constant 16 : i32
      %mul3A_566 = arith.muli %scan3A_564, %mul3A_565 : i32
      %get3A_567 = arith.index_cast %mul3A_566 : i32 to index
      %get3A_568 = tpu.vector_load %arg8[%get3A_567] {strides = array<i32>} : memref<13312xf32, #tpu.memory_space<vmem>>, vector<16xf32>,
      %get3A_569 = vector.shape_cast %get3A_568 : vector<16xf32> to vector<16xf32>
      %add3A_570 = arith.constant 512 : i32
      %add3A_571 = arith.addi %add3A_570, %mul3A_566 : i32
      %get3A_572 = arith.index_cast %add3A_571 : i32 to index
      %get3A_573 = tpu.vector_load %arg8[%get3A_572] {strides = array<i32>} : memref<13312xf32, #tpu.memory_space<vmem>>, vector<16xf32>,
      %get3A_574 = vector.shape_cast %get3A_573 : vector<16xf32> to vector<16xf32>
      %add3A_575 = arith.addf %get3A_569, %get3A_574 : vector<16xf32>
      %add3A_576 = arith.constant 1024 : i32
      %add3A_577 = arith.addi %add3A_576, %mul3A_566 : i32
      %get3A_578 = arith.index_cast %add3A_577 : i32 to index
      %get3A_579 = tpu.vector_load %arg8[%get3A_578] {strides = array<i32>} : memref<13312xf32, #tpu.memory_space<vmem>>, vector<16xf32>,
      %get3A_580 = vector.shape_cast %get3A_579 : vector<16xf32> to vector<16xf32>
      %add3A_581 = arith.addf %add3A_575, %get3A_580 : vector<16xf32>
      %add3A_582 = arith.constant 1536 : i32
      %add3A_583 = arith.addi %add3A_582, %mul3A_566 : i32
      %get3A_584 = arith.index_cast %add3A_583 : i32 to index
      %get3A_585 = tpu.vector_load %arg8[%get3A_584] {strides = array<i32>} : memref<13312xf32, #tpu.memory_space<vmem>>, vector<16xf32>,
      %get3A_586 = vector.shape_cast %get3A_585 : vector<16xf32> to vector<16xf32>
      %add3A_587 = arith.addf %add3A_581, %get3A_586 : vector<16xf32>
      %add3A_588 = arith.constant 2048 : i32
      %add3A_589 = arith.addi %add3A_588, %mul3A_566 : i32
      %get3A_590 = arith.index_cast %add3A_589 : i32 to index
      %get3A_591 = tpu.vector_load %arg8[%get3A_590] {strides = array<i32>} : memref<13312xf32, #tpu.memory_space<vmem>>, vector<16xf32>,
      %get3A_592 = vector.shape_cast %get3A_591 : vector<16xf32> to vector<16xf32>
      %add3A_593 = arith.addf %add3A_587, %get3A_592 : vector<16xf32>
      %add3A_594 = arith.constant 2560 : i32
      %add3A_595 = arith.addi %add3A_594, %mul3A_566 : i32
      %get3A_596 = arith.index_cast %add3A_595 : i32 to index
      %get3A_597 = tpu.vector_load %arg8[%get3A_596] {strides = array<i32>} : memref<13312xf32, #tpu.memory_space<vmem>>, vector<16xf32>,
      %get3A_598 = vector.shape_cast %get3A_597 : vector<16xf32> to vector<16xf32>
      %add3A_599 = arith.addf %add3A_593, %get3A_598 : vector<16xf32>
      %add3A_600 = arith.constant 3072 : i32
      %add3A_601 = arith.addi %add3A_600, %mul3A_566 : i32
      %get3A_602 = arith.index_cast %add3A_601 : i32 to index
      %get3A_603 = tpu.vector_load %arg8[%get3A_602] {strides = array<i32>} : memref<13312xf32, #tpu.memory_space<vmem>>, vector<16xf32>,
      %get3A_604 = vector.shape_cast %get3A_603 : vector<16xf32> to vector<16xf32>
      %add3A_605 = arith.addf %add3A_599, %get3A_604 : vector<16xf32>
      %add3A_606 = arith.constant 3584 : i32
      %add3A_607 = arith.addi %add3A_606, %mul3A_566 : i32
      %get3A_608 = arith.index_cast %add3A_607 : i32 to index
      %get3A_609 = tpu.vector_load %arg8[%get3A_608] {strides = array<i32>} : memref<13312xf32, #tpu.memory_space<vmem>>, vector<16xf32>,
      %get3A_610 = vector.shape_cast %get3A_609 : vector<16xf32> to vector<16xf32>
      %add3A_611 = arith.addf %add3A_605, %get3A_610 : vector<16xf32>
      %add3A_612 = arith.constant 4096 : i32
      %add3A_613 = arith.addi %add3A_612, %mul3A_566 : i32
      %get3A_614 = arith.index_cast %add3A_613 : i32 to index
      %get3A_615 = tpu.vector_load %arg8[%get3A_614] {strides = array<i32>} : memref<13312xf32, #tpu.memory_space<vmem>>, vector<16xf32>,
      %get3A_616 = vector.shape_cast %get3A_615 : vector<16xf32> to vector<16xf32>
      %add3A_617 = arith.addf %add3A_611, %get3A_616 : vector<16xf32>
      %add3A_618 = arith.constant 4608 : i32
      %add3A_619 = arith.addi %add3A_618, %mul3A_566 : i32
      %get3A_620 = arith.index_cast %add3A_619 : i32 to index
      %get3A_621 = tpu.vector_load %arg8[%get3A_620] {strides = array<i32>} : memref<13312xf32, #tpu.memory_space<vmem>>, vector<16xf32>,
      %get3A_622 = vector.shape_cast %get3A_621 : vector<16xf32> to vector<16xf32>
      %add3A_623 = arith.addf %add3A_617, %get3A_622 : vector<16xf32>
      %add3A_624 = arith.constant 5120 : i32
      %add3A_625 = arith.addi %add3A_624, %mul3A_566 : i32
      %get3A_626 = arith.index_cast %add3A_625 : i32 to index
      %get3A_627 = tpu.vector_load %arg8[%get3A_626] {strides = array<i32>} : memref<13312xf32, #tpu.memory_space<vmem>>, vector<16xf32>,
      %get3A_628 = vector.shape_cast %get3A_627 : vector<16xf32> to vector<16xf32>
      %add3A_629 = arith.addf %add3A_623, %get3A_628 : vector<16xf32>
      %add3A_630 = arith.constant 5632 : i32
      %add3A_631 = arith.addi %add3A_630, %mul3A_566 : i32
      %get3A_632 = arith.index_cast %add3A_631 : i32 to index
      %get3A_633 = tpu.vector_load %arg8[%get3A_632] {strides = array<i32>} : memref<13312xf32, #tpu.memory_space<vmem>>, vector<16xf32>,
      %get3A_634 = vector.shape_cast %get3A_633 : vector<16xf32> to vector<16xf32>
      %add3A_635 = arith.addf %add3A_629, %get3A_634 : vector<16xf32>
      %add3A_636 = arith.constant 6144 : i32
      %add3A_637 = arith.addi %add3A_636, %mul3A_566 : i32
      %get3A_638 = arith.index_cast %add3A_637 : i32 to index
      %get3A_639 = tpu.vector_load %arg8[%get3A_638] {strides = array<i32>} : memref<13312xf32, #tpu.memory_space<vmem>>, vector<16xf32>,
      %get3A_640 = vector.shape_cast %get3A_639 : vector<16xf32> to vector<16xf32>
      %add3A_641 = arith.addf %add3A_635, %get3A_640 : vector<16xf32>
      %add3A_642 = arith.constant 6656 : i32
      %add3A_643 = arith.addi %add3A_642, %mul3A_566 : i32
      %get3A_644 = arith.index_cast %add3A_643 : i32 to index
      %get3A_645 = tpu.vector_load %arg8[%get3A_644] {strides = array<i32>} : memref<13312xf32, #tpu.memory_space<vmem>>, vector<16xf32>,
      %get3A_646 = vector.shape_cast %get3A_645 : vector<16xf32> to vector<16xf32>
      %add3A_647 = arith.addf %add3A_641, %get3A_646 : vector<16xf32>
      %add3A_648 = arith.constant 7168 : i32
      %add3A_649 = arith.addi %add3A_648, %mul3A_566 : i32
      %get3A_650 = arith.index_cast %add3A_649 : i32 to index
      %get3A_651 = tpu.vector_load %arg8[%get3A_650] {strides = array<i32>} : memref<13312xf32, #tpu.memory_space<vmem>>, vector<16xf32>,
      %get3A_652 = vector.shape_cast %get3A_651 : vector<16xf32> to vector<16xf32>
      %add3A_653 = arith.addf %add3A_647, %get3A_652 : vector<16xf32>
      %add3A_654 = arith.constant 7680 : i32
      %add3A_655 = arith.addi %add3A_654, %mul3A_566 : i32
      %get3A_656 = arith.index_cast %add3A_655 : i32 to index
      %get3A_657 = tpu.vector_load %arg8[%get3A_656] {strides = array<i32>} : memref<13312xf32, #tpu.memory_space<vmem>>, vector<16xf32>,
      %get3A_658 = vector.shape_cast %get3A_657 : vector<16xf32> to vector<16xf32>
      %add3A_659 = arith.addf %add3A_653, %get3A_658 : vector<16xf32>
      %add3A_660 = arith.constant 8192 : i32
      %add3A_661 = arith.addi %add3A_660, %mul3A_566 : i32
      %get3A_662 = arith.index_cast %add3A_661 : i32 to index
      %get3A_663 = tpu.vector_load %arg8[%get3A_662] {strides = array<i32>} : memref<13312xf32, #tpu.memory_space<vmem>>, vector<16xf32>,
      %get3A_664 = vector.shape_cast %get3A_663 : vector<16xf32> to vector<16xf32>
      %add3A_665 = arith.addf %add3A_659, %get3A_664 : vector<16xf32>
      %add3A_666 = arith.constant 8704 : i32
      %add3A_667 = arith.addi %add3A_666, %mul3A_566 : i32
      %get3A_668 = arith.index_cast %add3A_667 : i32 to index
      %get3A_669 = tpu.vector_load %arg8[%get3A_668] {strides = array<i32>} : memref<13312xf32, #tpu.memory_space<vmem>>, vector<16xf32>,
      %get3A_670 = vector.shape_cast %get3A_669 : vector<16xf32> to vector<16xf32>
      %add3A_671 = arith.addf %add3A_665, %get3A_670 : vector<16xf32>
      %add3A_672 = arith.constant 9216 : i32
      %add3A_673 = arith.addi %add3A_672, %mul3A_566 : i32
      %get3A_674 = arith.index_cast %add3A_673 : i32 to index
      %get3A_675 = tpu.vector_load %arg8[%get3A_674] {strides = array<i32>} : memref<13312xf32, #tpu.memory_space<vmem>>, vector<16xf32>,
      %get3A_676 = vector.shape_cast %get3A_675 : vector<16xf32> to vector<16xf32>
      %add3A_677 = arith.addf %add3A_671, %get3A_676 : vector<16xf32>
      %add3A_678 = arith.constant 9728 : i32
      %add3A_679 = arith.addi %add3A_678, %mul3A_566 : i32
      %get3A_680 = arith.index_cast %add3A_679 : i32 to index
      %get3A_681 = tpu.vector_load %arg8[%get3A_680] {strides = array<i32>} : memref<13312xf32, #tpu.memory_space<vmem>>, vector<16xf32>,
      %get3A_682 = vector.shape_cast %get3A_681 : vector<16xf32> to vector<16xf32>
      %add3A_683 = arith.addf %add3A_677, %get3A_682 : vector<16xf32>
      %add3A_684 = arith.constant 10240 : i32
      %add3A_685 = arith.addi %add3A_684, %mul3A_566 : i32
      %get3A_686 = arith.index_cast %add3A_685 : i32 to index
      %get3A_687 = tpu.vector_load %arg8[%get3A_686] {strides = array<i32>} : memref<13312xf32, #tpu.memory_space<vmem>>, vector<16xf32>,
      %get3A_688 = vector.shape_cast %get3A_687 : vector<16xf32> to vector<16xf32>
      %add3A_689 = arith.addf %add3A_683, %get3A_688 : vector<16xf32>
      %add3A_690 = arith.constant 10752 : i32
      %add3A_691 = arith.addi %add3A_690, %mul3A_566 : i32
      %get3A_692 = arith.index_cast %add3A_691 : i32 to index
      %get3A_693 = tpu.vector_load %arg8[%get3A_692] {strides = array<i32>} : memref<13312xf32, #tpu.memory_space<vmem>>, vector<16xf32>,
      %get3A_694 = vector.shape_cast %get3A_693 : vector<16xf32> to vector<16xf32>
      %add3A_695 = arith.addf %add3A_689, %get3A_694 : vector<16xf32>
      %add3A_696 = arith.constant 11264 : i32
      %add3A_697 = arith.addi %add3A_696, %mul3A_566 : i32
      %get3A_698 = arith.index_cast %add3A_697 : i32 to index
      %get3A_699 = tpu.vector_load %arg8[%get3A_698] {strides = array<i32>} : memref<13312xf32, #tpu.memory_space<vmem>>, vector<16xf32>,
      %get3A_700 = vector.shape_cast %get3A_699 : vector<16xf32> to vector<16xf32>
      %add3A_701 = arith.addf %add3A_695, %get3A_700 : vector<16xf32>
      %add3A_702 = arith.constant 11776 : i32
      %add3A_703 = arith.addi %add3A_702, %mul3A_566 : i32
      %get3A_704 = arith.index_cast %add3A_703 : i32 to index
      %get3A_705 = tpu.vector_load %arg8[%get3A_704] {strides = array<i32>} : memref<13312xf32, #tpu.memory_space<vmem>>, vector<16xf32>,
      %get3A_706 = vector.shape_cast %get3A_705 : vector<16xf32> to vector<16xf32>
      %add3A_707 = arith.addf %add3A_701, %get3A_706 : vector<16xf32>
      %add3A_708 = arith.constant 12288 : i32
      %add3A_709 = arith.addi %add3A_708, %mul3A_566 : i32
      %get3A_710 = arith.index_cast %add3A_709 : i32 to index
      %get3A_711 = tpu.vector_load %arg8[%get3A_710] {strides = array<i32>} : memref<13312xf32, #tpu.memory_space<vmem>>, vector<16xf32>,
      %get3A_712 = vector.shape_cast %get3A_711 : vector<16xf32> to vector<16xf32>
      %add3A_713 = arith.addf %add3A_707, %get3A_712 : vector<16xf32>
      %add3A_714 = arith.constant 12800 : i32
      %add3A_715 = arith.addi %add3A_714, %mul3A_566 : i32
      %get3A_716 = arith.index_cast %add3A_715 : i32 to index
      %get3A_717 = tpu.vector_load %arg8[%get3A_716] {strides = array<i32>} : memref<13312xf32, #tpu.memory_space<vmem>>, vector<16xf32>,
      %get3A_718 = vector.shape_cast %get3A_717 : vector<16xf32> to vector<16xf32>
      %add3A_719 = arith.addf %add3A_713, %get3A_718 : vector<16xf32>
      %add3A_720 = arith.constant 0 : i32
      %add3A_721 = arith.addi %add3A_720, %mul3A_566 : i32
      %get3A_722 = arith.index_cast %add3A_721 : i32 to index
      %get3A_723 = tpu.vector_load %arg9[%get3A_722] {strides = array<i32>} : memref<6656xf32, #tpu.memory_space<vmem>>, vector<16xf32>,
      %get3A_724 = vector.shape_cast %get3A_723 : vector<16xf32> to vector<16xf32>
      %slice3A = vector.extract_strided_slice %get3A_557 {offsets = [0], sizes = [1], strides = [1]} : vector<16xf32> to vector<1xf32>
      %squeeze3A = vector.extract %slice3A[0] : f32 from vector<1xf32>
      %mul3A_725 = vector.broadcast %squeeze3A : f32 to vector<16xf32>
      %mul3A_726 = arith.mulf %get3A_724, %mul3A_725 : vector<16xf32>
      %add3A_727 = arith.addf %add3A_719, %mul3A_726 : vector<16xf32>
      %add3A_728 = arith.constant 512 : i32
      %add3A_729 = arith.addi %add3A_728, %mul3A_566 : i32
      %get3A_730 = arith.index_cast %add3A_729 : i32 to index
      %get3A_731 = tpu.vector_load %arg9[%get3A_730] {strides = array<i32>} : memref<6656xf32, #tpu.memory_space<vmem>>, vector<16xf32>,
      %get3A_732 = vector.shape_cast %get3A_731 : vector<16xf32> to vector<16xf32>
      %slice3A_733 = vector.extract_strided_slice %get3A_557 {offsets = [1], sizes = [1], strides = [1]} : vector<16xf32> to vector<1xf32>
      %squeeze3A_734 = vector.extract %slice3A_733[0] : f32 from vector<1xf32>
      %mul3A_735 = vector.broadcast %squeeze3A_734 : f32 to vector<16xf32>
      %mul3A_736 = arith.mulf %get3A_732, %mul3A_735 : vector<16xf32>
      %add3A_737 = arith.addf %add3A_727, %mul3A_736 : vector<16xf32>
      %add3A_738 = arith.constant 1024 : i32
      %add3A_739 = arith.addi %add3A_738, %mul3A_566 : i32
      %get3A_740 = arith.index_cast %add3A_739 : i32 to index
      %get3A_741 = tpu.vector_load %arg9[%get3A_740] {strides = array<i32>} : memref<6656xf32, #tpu.memory_space<vmem>>, vector<16xf32>,
      %get3A_742 = vector.shape_cast %get3A_741 : vector<16xf32> to vector<16xf32>
      %slice3A_743 = vector.extract_strided_slice %get3A_557 {offsets = [2], sizes = [1], strides = [1]} : vector<16xf32> to vector<1xf32>
      %squeeze3A_744 = vector.extract %slice3A_743[0] : f32 from vector<1xf32>
      %mul3A_745 = vector.broadcast %squeeze3A_744 : f32 to vector<16xf32>
      %mul3A_746 = arith.mulf %get3A_742, %mul3A_745 : vector<16xf32>
      %add3A_747 = arith.addf %add3A_737, %mul3A_746 : vector<16xf32>
      %add3A_748 = arith.constant 1536 : i32
      %add3A_749 = arith.addi %add3A_748, %mul3A_566 : i32
      %get3A_750 = arith.index_cast %add3A_749 : i32 to index
      %get3A_751 = tpu.vector_load %arg9[%get3A_750] {strides = array<i32>} : memref<6656xf32, #tpu.memory_space<vmem>>, vector<16xf32>,
      %get3A_752 = vector.shape_cast %get3A_751 : vector<16xf32> to vector<16xf32>
      %slice3A_753 = vector.extract_strided_slice %get3A_557 {offsets = [3], sizes = [1], strides = [1]} : vector<16xf32> to vector<1xf32>
      %squeeze3A_754 = vector.extract %slice3A_753[0] : f32 from vector<1xf32>
      %mul3A_755 = vector.broadcast %squeeze3A_754 : f32 to vector<16xf32>
      %mul3A_756 = arith.mulf %get3A_752, %mul3A_755 : vector<16xf32>
      %add3A_757 = arith.addf %add3A_747, %mul3A_756 : vector<16xf32>
      %add3A_758 = arith.constant 2048 : i32
      %add3A_759 = arith.addi %add3A_758, %mul3A_566 : i32
      %get3A_760 = arith.index_cast %add3A_759 : i32 to index
      %get3A_761 = tpu.vector_load %arg9[%get3A_760] {strides = array<i32>} : memref<6656xf32, #tpu.memory_space<vmem>>, vector<16xf32>,
      %get3A_762 = vector.shape_cast %get3A_761 : vector<16xf32> to vector<16xf32>
      %slice3A_763 = vector.extract_strided_slice %get3A_557 {offsets = [4], sizes = [1], strides = [1]} : vector<16xf32> to vector<1xf32>
      %squeeze3A_764 = vector.extract %slice3A_763[0] : f32 from vector<1xf32>
      %mul3A_765 = vector.broadcast %squeeze3A_764 : f32 to vector<16xf32>
      %mul3A_766 = arith.mulf %get3A_762, %mul3A_765 : vector<16xf32>
      %add3A_767 = arith.addf %add3A_757, %mul3A_766 : vector<16xf32>
      %add3A_768 = arith.constant 2560 : i32
      %add3A_769 = arith.addi %add3A_768, %mul3A_566 : i32
      %get3A_770 = arith.index_cast %add3A_769 : i32 to index
      %get3A_771 = tpu.vector_load %arg9[%get3A_770] {strides = array<i32>} : memref<6656xf32, #tpu.memory_space<vmem>>, vector<16xf32>,
      %get3A_772 = vector.shape_cast %get3A_771 : vector<16xf32> to vector<16xf32>
      %slice3A_773 = vector.extract_strided_slice %get3A_557 {offsets = [5], sizes = [1], strides = [1]} : vector<16xf32> to vector<1xf32>
      %squeeze3A_774 = vector.extract %slice3A_773[0] : f32 from vector<1xf32>
      %mul3A_775 = vector.broadcast %squeeze3A_774 : f32 to vector<16xf32>
      %mul3A_776 = arith.mulf %get3A_772, %mul3A_775 : vector<16xf32>
      %add3A_777 = arith.addf %add3A_767, %mul3A_776 : vector<16xf32>
      %add3A_778 = arith.constant 3072 : i32
      %add3A_779 = arith.addi %add3A_778, %mul3A_566 : i32
      %get3A_780 = arith.index_cast %add3A_779 : i32 to index
      %get3A_781 = tpu.vector_load %arg9[%get3A_780] {strides = array<i32>} : memref<6656xf32, #tpu.memory_space<vmem>>, vector<16xf32>,
      %get3A_782 = vector.shape_cast %get3A_781 : vector<16xf32> to vector<16xf32>
      %slice3A_783 = vector.extract_strided_slice %get3A_557 {offsets = [6], sizes = [1], strides = [1]} : vector<16xf32> to vector<1xf32>
      %squeeze3A_784 = vector.extract %slice3A_783[0] : f32 from vector<1xf32>
      %mul3A_785 = vector.broadcast %squeeze3A_784 : f32 to vector<16xf32>
      %mul3A_786 = arith.mulf %get3A_782, %mul3A_785 : vector<16xf32>
      %add3A_787 = arith.addf %add3A_777, %mul3A_786 : vector<16xf32>
      %add3A_788 = arith.constant 3584 : i32
      %add3A_789 = arith.addi %add3A_788, %mul3A_566 : i32
      %get3A_790 = arith.index_cast %add3A_789 : i32 to index
      %get3A_791 = tpu.vector_load %arg9[%get3A_790] {strides = array<i32>} : memref<6656xf32, #tpu.memory_space<vmem>>, vector<16xf32>,
      %get3A_792 = vector.shape_cast %get3A_791 : vector<16xf32> to vector<16xf32>
      %slice3A_793 = vector.extract_strided_slice %get3A_557 {offsets = [7], sizes = [1], strides = [1]} : vector<16xf32> to vector<1xf32>
      %squeeze3A_794 = vector.extract %slice3A_793[0] : f32 from vector<1xf32>
      %mul3A_795 = vector.broadcast %squeeze3A_794 : f32 to vector<16xf32>
      %mul3A_796 = arith.mulf %get3A_792, %mul3A_795 : vector<16xf32>
      %add3A_797 = arith.addf %add3A_787, %mul3A_796 : vector<16xf32>
      %add3A_798 = arith.constant 4096 : i32
      %add3A_799 = arith.addi %add3A_798, %mul3A_566 : i32
      %get3A_800 = arith.index_cast %add3A_799 : i32 to index
      %get3A_801 = tpu.vector_load %arg9[%get3A_800] {strides = array<i32>} : memref<6656xf32, #tpu.memory_space<vmem>>, vector<16xf32>,
      %get3A_802 = vector.shape_cast %get3A_801 : vector<16xf32> to vector<16xf32>
      %slice3A_803 = vector.extract_strided_slice %get3A_557 {offsets = [8], sizes = [1], strides = [1]} : vector<16xf32> to vector<1xf32>
      %squeeze3A_804 = vector.extract %slice3A_803[0] : f32 from vector<1xf32>
      %mul3A_805 = vector.broadcast %squeeze3A_804 : f32 to vector<16xf32>
      %mul3A_806 = arith.mulf %get3A_802, %mul3A_805 : vector<16xf32>
      %add3A_807 = arith.addf %add3A_797, %mul3A_806 : vector<16xf32>
      %add3A_808 = arith.constant 4608 : i32
      %add3A_809 = arith.addi %add3A_808, %mul3A_566 : i32
      %get3A_810 = arith.index_cast %add3A_809 : i32 to index
      %get3A_811 = tpu.vector_load %arg9[%get3A_810] {strides = array<i32>} : memref<6656xf32, #tpu.memory_space<vmem>>, vector<16xf32>,
      %get3A_812 = vector.shape_cast %get3A_811 : vector<16xf32> to vector<16xf32>
      %slice3A_813 = vector.extract_strided_slice %get3A_557 {offsets = [9], sizes = [1], strides = [1]} : vector<16xf32> to vector<1xf32>
      %squeeze3A_814 = vector.extract %slice3A_813[0] : f32 from vector<1xf32>
      %mul3A_815 = vector.broadcast %squeeze3A_814 : f32 to vector<16xf32>
      %mul3A_816 = arith.mulf %get3A_812, %mul3A_815 : vector<16xf32>
      %add3A_817 = arith.addf %add3A_807, %mul3A_816 : vector<16xf32>
      %add3A_818 = arith.constant 5120 : i32
      %add3A_819 = arith.addi %add3A_818, %mul3A_566 : i32
      %get3A_820 = arith.index_cast %add3A_819 : i32 to index
      %get3A_821 = tpu.vector_load %arg9[%get3A_820] {strides = array<i32>} : memref<6656xf32, #tpu.memory_space<vmem>>, vector<16xf32>,
      %get3A_822 = vector.shape_cast %get3A_821 : vector<16xf32> to vector<16xf32>
      %slice3A_823 = vector.extract_strided_slice %get3A_557 {offsets = [10], sizes = [1], strides = [1]} : vector<16xf32> to vector<1xf32>
      %squeeze3A_824 = vector.extract %slice3A_823[0] : f32 from vector<1xf32>
      %mul3A_825 = vector.broadcast %squeeze3A_824 : f32 to vector<16xf32>
      %mul3A_826 = arith.mulf %get3A_822, %mul3A_825 : vector<16xf32>
      %add3A_827 = arith.addf %add3A_817, %mul3A_826 : vector<16xf32>
      %add3A_828 = arith.constant 5632 : i32
      %add3A_829 = arith.addi %add3A_828, %mul3A_566 : i32
      %get3A_830 = arith.index_cast %add3A_829 : i32 to index
      %get3A_831 = tpu.vector_load %arg9[%get3A_830] {strides = array<i32>} : memref<6656xf32, #tpu.memory_space<vmem>>, vector<16xf32>,
      %get3A_832 = vector.shape_cast %get3A_831 : vector<16xf32> to vector<16xf32>
      %slice3A_833 = vector.extract_strided_slice %get3A_557 {offsets = [11], sizes = [1], strides = [1]} : vector<16xf32> to vector<1xf32>
      %squeeze3A_834 = vector.extract %slice3A_833[0] : f32 from vector<1xf32>
      %mul3A_835 = vector.broadcast %squeeze3A_834 : f32 to vector<16xf32>
      %mul3A_836 = arith.mulf %get3A_832, %mul3A_835 : vector<16xf32>
      %add3A_837 = arith.addf %add3A_827, %mul3A_836 : vector<16xf32>
      %add3A_838 = arith.constant 6144 : i32
      %add3A_839 = arith.addi %add3A_838, %mul3A_566 : i32
      %get3A_840 = arith.index_cast %add3A_839 : i32 to index
      %get3A_841 = tpu.vector_load %arg9[%get3A_840] {strides = array<i32>} : memref<6656xf32, #tpu.memory_space<vmem>>, vector<16xf32>,
      %get3A_842 = vector.shape_cast %get3A_841 : vector<16xf32> to vector<16xf32>
      %slice3A_843 = vector.extract_strided_slice %get3A_557 {offsets = [12], sizes = [1], strides = [1]} : vector<16xf32> to vector<1xf32>
      %squeeze3A_844 = vector.extract %slice3A_843[0] : f32 from vector<1xf32>
      %mul3A_845 = vector.broadcast %squeeze3A_844 : f32 to vector<16xf32>
      %mul3A_846 = arith.mulf %get3A_842, %mul3A_845 : vector<16xf32>
      %add3A_847 = arith.addf %add3A_837, %mul3A_846 : vector<16xf32>
      %swap3A = arith.index_cast %mul3A_566 : i32 to index
      %swap3A_848 = tpu.vector_load %arg11[%swap3A] {strides = array<i32>} : memref<512xf32, #tpu.memory_space<vmem>>, vector<16xf32>,
      %swap3A_849 = vector.shape_cast %swap3A_848 : vector<16xf32> to vector<16xf32>
      %swap3A_850 = vector.shape_cast %add3A_847 : vector<16xf32> to vector<16xf32>
      tpu.vector_store %arg11[%swap3A], %swap3A_850 {strides = array<i32>} : memref<512xf32, #tpu.memory_space<vmem>>, vector<16xf32>,
    }
    %scan3A_563 = arith.constant 32 : i32
    "tpu.region"() ({
      %run_scoped3A = tpu.sem_alloc : memref<!tpu.dma_semaphore, #tpu.memory_space<semaphore_mem>>
      %dma_start3A_564 = tpu.memref_slice %arg6[%mul3A_2] : memref<16384xf32, #tpu.memory_space<hbm>> -> memref<512xf32, #tpu.memory_space<hbm>>
      %dma_start3A_565 = tpu.memref_slice %arg6[%mul3A_2] : memref<16384xf32, #tpu.memory_space<hbm>> -> memref<512xf32, #tpu.memory_space<hbm>>
      tpu.enqueue_dma source(%arg11 : memref<512xf32, #tpu.memory_space<vmem>>) target(%dma_start3A_565 : memref<512xf32, #tpu.memory_space<hbm>>) target_semaphore(%run_scoped3A : memref<!tpu.dma_semaphore, #tpu.memory_space<semaphore_mem>>)
      %dma_wait3A_566 = tpu.memref_slice %arg6[%mul3A_2] : memref<16384xf32, #tpu.memory_space<hbm>> -> memref<512xf32, #tpu.memory_space<hbm>>
      %dma_wait3A_567 = tpu.memref_slice %arg6[%mul3A_2] : memref<16384xf32, #tpu.memory_space<hbm>> -> memref<512xf32, #tpu.memory_space<hbm>>
      tpu.wait_dma2 semaphore(%run_scoped3A : memref<!tpu.dma_semaphore, #tpu.memory_space<semaphore_mem>>) src(%arg11 : memref<512xf32, #tpu.memory_space<vmem>>) dst(%dma_wait3A_567 : memref<512xf32, #tpu.memory_space<hbm>>)
      tpu.yield
    }) : () -> ()
    return
  }
}

module attributes {stable_mosaic.version = 14 : i64} {
  func.func @_retile_body(%arg0: i32, %arg1: memref<26x65536xf32, #tpu.memory_space<vmem>>, %arg2: memref<26x512x128xf32, #tpu.memory_space<vmem>>) attributes {dimension_semantics = [#tpu.dimension_semantics<arbitrary>], iteration_bounds = array<i64: 16>, scalar_prefetch = 0 : i64, scratch_operands = 0 : i64, tpu.core_type = #tpu.core_type<tc>, window_params = [{transform_indices = @transform_0, window_bounds = array<i64: 26, 65536>}, {transform_indices = @transform_1, window_bounds = array<i64: 26, 512, 128>}]} {
    %get3A = arith.constant 0 : index
    %get3A_0 = arith.constant 0 : index
    %get3A_1 = vector.load %arg1[%get3A, %get3A_0] : memref<26x65536xf32, #tpu.memory_space<vmem>>, vector<26x65536xf32>
    %reshape3A = vector.shape_cast %get3A_1 : vector<26x65536xf32> to vector<26x512x128xf32>
    %swap3A = arith.constant 0 : index
    %swap3A_2 = arith.constant 0 : index
    %swap3A_3 = arith.constant 0 : index
    %swap3A_4 = vector.load %arg2[%swap3A, %swap3A_2, %swap3A_3] : memref<26x512x128xf32, #tpu.memory_space<vmem>>, vector<26x512x128xf32>
    tpu.vector_store %arg2[%swap3A, %swap3A_2, %swap3A_3], %reshape3A {strides = array<i32>} : memref<26x512x128xf32, #tpu.memory_space<vmem>>, vector<26x512x128xf32>,
    return
  }
  func.func @transform_0(%arg0: i32) -> (i32, i32) {
    %c0_i32 = arith.constant 0 : i32
    %c0_i32_0 = arith.constant 0 : i32
    return %c0_i32, %arg0 : i32, i32
  }
  func.func @transform_1(%arg0: i32) -> (i32, i32, i32) {
    %c0_i32 = arith.constant 0 : i32
    %c0_i32_0 = arith.constant 0 : i32
    %c0_i32_1 = arith.constant 0 : i32
    return %c0_i32, %arg0, %c0_i32_0 : i32, i32, i32
  }
}

</mosaic_0001>

<sc_bundles>
// kernel: kernel.4.cloned.1.call-start
scs
__scs_entry_jumppad:
0x0: {  	(pc) =	sbr.rel $0x88, $3  }
0x1: {  	(tag) =	ssettag $0x0;
	lr =	simm.s32 $0x1  }
0x2: {  	[smem:$0x3F9D] =	sst lr;
	_ =	strace $0xD0000000  }
0x3: {  	_ = 	snop  }
0x4: {  	_ = 	snop  }
0x5: {  	_ = 	snop  }
0x6: {  	_ = 	snop  }
0x7: {  	_ = 	snop  }
__scs_overlays_trampoline_lowered:
0x8: {  	[smem:$0x3FAC] =	sst s0  }
0x9: {  	[smem:$0x3FAD] =	sst s1  }
0xa: {  	[smem:$0x3FAE] =	sst s2  }
0xb: {  	[smem:$0x3FAF] =	sst s3  }
0xc: {  	[smem:$0x3FB0] =	sst s4  }
0xd: {  	[smem:$0x3FB1] =	sst s5  }
0xe: {  	[smem:$0x3FB2] =	sst s6  }
0xf: {  	[smem:$0x3FB3] =	sst s7  }
0x10: {  	[smem:$0x3FB4] =	sst s8  }
0x11: {  	[smem:$0x3FB5] =	sst s9;
	s0 =	simm.s32 @!p0 $0x0  }
0x12: {  	s1 =	sld [smem:$0x3F9B];
	s0 =	simm.s32 @p0 $0x1  }
0x13: {  	[smem:$0x3FB6] =	sst s0;
	s0 =	simm.s32 @!p1 $0x0  }
0x14: {  	s2 =	sld [smem:$0x3F9A];
	s0 =	simm.s32 @p1 $0x1  }
0x15: {  	[smem:$0x3FB7] =	sst s0;
	s0 =	simm.s32 @!p2 $0x0  }
0x16: {  	s3 =	sld [smem:$0x3FDB];
	s0 =	simm.s32 @p2 $0x1  }
0x17: {  	s4 =	simm.s32 $0x1BF5;
	[smem:$0x3FB9] =	sst s0  }
0x18: {  	s0 =	sld [smem:$0x3F9C];
	_ =	swait.ge [sflag:s4], $0x0  }
0x19: {  	s7 =	sld [smem:$0x3F9D]  }
0x1a: {  	s8 =	sadd.s32 $0xFFFFE003, lr  }
0x1b: {  	s9 =	sadd.s32 $0xFFFFFEF7, lr;
	s5 =	simm.s32 $0xFFFFFFFF;
	p2 =	slt.u32 s8, $0xFFFFF086  }
0x1c: {  	p1 =	slt.u32 s9, $0xF7A;
	s5 =	simm.s32 @!p2 $0x0  }
0x1d: {  	s5 =	simm.s32 @p1 $0x1;
	p0 =	seq.s32 s7, s2  }
0x1e: {  	s7 =	smul.u32 @!p0 $0xF7A, s2;
	p2 =	seq.s32 @!p0 s5, $0x0  }
0x1f: {  	s9 =	smul.u32 $0xF7A, s1;
	s8 =	simm.s32 @!p0 $0x1BF5;
	p2 =	por !p2, p0  }
0x20: {  	[sflag:s8] =	ssyncset.s32 @!p0 $0xFFFFF086;
	s6 =	sadd.s32 @!p0 s3, s7;
	s7 =	simm.s32 @!p0 $0x108  }
0x21: {  	s3 =	sadd.s32 s3, s9;
	s6 =	sadd.s32 @!p0 $0x88, s6;
	s7 =	simm.s32 @p2 $0x1082  }
0x22: {  	[simem:s7], [sflag:s8] =	dma.local @!p0 [hbm:s6], $0xF7A  }
0x23: {  	s9 =	sor.u32 $0xD0000000, s2;
	s6 =	simm.s32 $0x108;
	_ =	swait.ge @!p0 [sflag:s8], $0x0  }
0x24: {  	s3 =	sadd.s32 $0x88, s3;
	s6 =	simm.s32 @!p1 $0x1082;
	[sflag:s4] =	ssyncset.s32 $0xFFFFF086  }
0x25: {  	[simem:s6], [sflag:s4] =	dma.local [hbm:s3], $0xF7A  }
0x26: {  	[smem:$0x3F9D] =	sst s1;
	(tag) =	ssettag s2;
	_ =	strace s9  }
0x27: {  	s1 =	sld [smem:$0x3FAD]  }
0x28: {  	s2 =	sld [smem:$0x3FAE]  }
0x29: {  	s4 =	sld [smem:$0x3FB0]  }
0x2a: {  	p0 =	seq.s32 s5, $0x0;
	s5 =	sld [smem:$0x3FB1]  }
0x2b: {  	s6 =	sld [smem:$0x3FB2]  }
0x2c: {  	s7 =	sld [smem:$0x3FB3]  }
0x2d: {  	s3 =	simm.s32 $0x108;
	s8 =	sld [smem:$0x3FB4]  }
0x2e: {  	s3 =	simm.s32 @!p0 $0x1082;
	s9 =	sld [smem:$0x3FB5]  }
0x2f: {  	lr =	sadd.s32 s0, s3;
	s0 =	sld [smem:$0x3FAC]  }
0x30: {  	s3 =	sld [smem:$0x3FAF]  }
0x31: {  	[smem:$0x3FB8] =	sst s10  }
0x32: {  	s10 =	sld [smem:$0x3FB6];
	_ =	sdelay $0x3  }
0x33: {  	p0 =	seq.s32 s10, $0x1;
	s10 =	sld [smem:$0x3FB8];
	_ =	sdelay $0x3  }
0x34: {  	[smem:$0x3FB8] =	sst s10  }
0x35: {  	s10 =	sld [smem:$0x3FB7];
	_ =	sdelay $0x3  }
0x36: {  	p1 =	seq.s32 s10, $0x1;
	s10 =	sld [smem:$0x3FB8];
	_ =	sdelay $0x3  }
0x37: {  	[smem:$0x3FB8] =	sst s10  }
0x38: {  	s10 =	sld [smem:$0x3FB9]  }
0x39: {  	_ = 	snop;
	(pc) =	sbr.ind lr, $3  }
0x3a: {  	_ = 	snop  }
0x3b: {  	_ = 	snop  }
0x3c: {  	p2 =	seq.s32 s10, $0x1;
	s10 =	sld [smem:$0x3FB8]  }
0x3d: {  	_ =	shalt  }
0x3e: {  	_ =	shalt  }
0x3f: {  	_ =	shalt  }
0x40: {  	_ =	shalt  }
0x41: {  	_ =	shalt  }
0x42: {  	_ =	shalt  }
0x43: {  	_ =	shalt  }
0x44: {  	_ =	shalt  }
0x45: {  	_ =	shalt  }
0x46: {  	_ =	shalt  }
0x47: {  	_ =	shalt  }
0x48: {  	_ =	shalt  }
0x49: {  	_ =	shalt  }
0x4a: {  	_ =	shalt  }
0x4b: {  	_ =	shalt  }
0x4c: {  	_ =	shalt  }
0x4d: {  	_ =	shalt  }
0x4e: {  	_ =	shalt  }
0x4f: {  	_ =	shalt  }
0x50: {  	_ =	shalt  }
0x51: {  	_ =	shalt  }
0x52: {  	_ =	shalt  }
0x53: {  	_ =	shalt  }
0x54: {  	_ =	shalt  }
0x55: {  	_ =	shalt  }
0x56: {  	_ =	shalt  }
0x57: {  	_ =	shalt  }
0x58: {  	_ =	shalt  }
0x59: {  	_ =	shalt  }
0x5a: {  	_ =	shalt  }
0x5b: {  	_ =	shalt  }
0x5c: {  	_ =	shalt  }
0x5d: {  	_ =	shalt  }
0x5e: {  	_ =	shalt  }
0x5f: {  	_ =	shalt  }
0x60: {  	_ =	shalt  }
0x61: {  	_ =	shalt  }
0x62: {  	_ =	shalt  }
0x63: {  	_ =	shalt  }
0x64: {  	_ =	shalt  }
0x65: {  	_ =	shalt  }
0x66: {  	_ =	shalt  }
0x67: {  	_ =	shalt  }
0x68: {  	_ =	shalt  }
0x69: {  	_ =	shalt  }
0x6a: {  	_ =	shalt  }
0x6b: {  	_ =	shalt  }
0x6c: {  	_ =	shalt  }
0x6d: {  	_ =	shalt  }
0x6e: {  	_ =	shalt  }
0x6f: {  	_ =	shalt  }
0x70: {  	_ =	shalt  }
0x71: {  	_ =	shalt  }
0x72: {  	_ =	shalt  }
0x73: {  	_ =	shalt  }
0x74: {  	_ =	shalt  }
0x75: {  	_ =	shalt  }
0x76: {  	_ =	shalt  }
0x77: {  	_ =	shalt  }
0x78: {  	_ =	shalt  }
0x79: {  	_ =	shalt  }
0x7a: {  	_ =	shalt  }
0x7b: {  	_ =	shalt  }
0x7c: {  	_ =	shalt  }
0x7d: {  	_ =	shalt  }
0x7e: {  	_ =	shalt  }
0x7f: {  	_ =	shalt  }
0x80: {  	_ =	shalt  }
0x81: {  	_ =	shalt  }
0x82: {  	_ =	shalt  }
0x83: {  	_ =	shalt  }
0x84: {  	_ =	shalt  }
0x85: {  	_ =	shalt  }
0x86: {  	_ =	shalt  }
0x87: {  	_ =	shalt  }
.Lfunc_end0:
.L_simem_size_0:
called_computation_lowered:
.L_overlay_start_0:
0x88: {  	s2 =	sld [smem:$0x3FD9]  }
0x89: {  	s3 =	sld [smem:$0x3FFE];
	_ =	sdelay $0x1  }
0x8a: {  	s1 =	srdreg.scid  }
0x8b: {  	s0 =	sand.u32 $0x1, s1  }
0x8c: {  	s17 =	sshll.u32 s0, $0xA;
	s2 =	sadd.s32 s3, s2  }
0x8d: {  	s2 =	sadd.s32 s2, s17  }
0x8e: {  	[smem:$0x3FC4] =	sst s2  }
0x8f: {  	_ = 	snop  }
0x90: {  	s2 =	sld [smem:$0x3FD0];
	(tm) =	ssettm $0x1  }
0x91: {  	s18 =	sld [smem:$0x3FFB];
	_ =	sdelay $0x3  }
0x92: {  	_ =	strace s18  }
0x93: {  	s3 =	sld [smem:$0x3FFC];
	_ =	sdelay $0x3  }
0x94: {  	_ =	strace s3  }
0x95: {  	s3 =	sld [smem:$0x3FFD];
	_ =	sdelay $0x3  }
0x96: {  	_ =	strace s3  }
0x97: {  	_ =	strace $0x8FFFFFFF  }
0x98: {  	s19 =	sld [smem:$0x3FDB];
	_ =	sdelay $0x1  }
0x99: {  	s4 =	simm.s32 $_scs_section_size  }
0x9a: {  	s5 =	simm.s32 $_size__tile_overlayer_lowered;
	s6 =	simm.s32 $_tile_overlayer_lowered  }
0x9b: {  	s22 =	simm.s32 $0x1BFF;
	s21 =	sshll.u32 s6, $0x1;
	s3 =	sadd.s32 s4, s19  }
0x9c: {  	s7 =	simm.s32 $0x0;
	s20 =	sshll.u32 s5, $0x1;
	s5 =	sadd.s32 s21, s3  }
0x9d: {  	[timem:s7], [sflag:s22] =	dma.local [hbm:s5], s20  }
0x9e: {  	_ =	swait.ge [sflag:s22], s20  }
0x9f: {  	s4 =	ssub.s32 $0x0, s20;
	[sflag:s22] =	ssyncset.done $0x0  }
0xa0: {  	[sflag:s22] =	ssyncadd.s32 s4;
	_ =	sdelay $0x1  }
0xa1: {  	s23 =	simm.s32 $0x1B8B  }
0xa2: {  	_ =	swait.ge [sflag:s23], $0x1  }
0xa3: {  	[sflag:s23] =	ssyncset.done $0x0  }
0xa4: {  	s25 =	simm.s32 $0x1B8E;
	s24 =	sld [smem:$0x3FFE];
	[sflag:s23] =	ssyncadd.s32 $0xFFFFFFFF  }
0xa5: {  	s26 =	simm.s32 $execute0_lowered;
	[smem:$0x3FD2] =	sst s25  }
0xa6: {  	s5 =	sshll.u32 s26, $0x1;
	_ =	strace $0x80000046;
	[dreg:$0x1] =	wrdreg $0xFFFFFFFF  }
0xa7: {  	s28 =	simm.s32 $_size_execute0_lowered;
	s3 =	sadd.s32 s3, s5;
	[dreg:$0x0] =	wrdreg $0x0  }
0xa8: {  	s5 =	sshll.u32 s28, $0x1;
	[dreg:$0x2] =	wrdreg s3  }
0xa9: {  	[dreg:$0x3] =	wrdreg s5  }
0xaa: {  	[dreg:$0x4] =	wrdreg $0xC0  }
0xab: {  	_ =	task [dreg:s7], $0x5FFFF  }
0xac: {  	[dreg:$0x1] =	wrdreg $0xFFFFFFFF  }
0xad: {  	[dreg:$0x0] =	wrdreg $0x60  }
0xae: {  	[dreg:$0x2] =	wrdreg s24  }
0xaf: {  	[dreg:$0x3] =	wrdreg s2  }
0xb0: {  	[dreg:$0x4] =	wrdreg $0x9  }
0xb1: {  	_ =	task.clear_ibuf [dreg:s7], $0x5FFFF;
	_ =	strace $0x90000046  }
0xb2: {  	s29 =	simm.s32 $0x9;
	_ =	strace $0x80000048  }
0xb3: {  	_ =	swait.ge [sflag:s29], $0x1  }
0xb4: {  	[sflag:s29] =	ssyncadd.s32 $0xFFFFFFFF  }
0xb5: {  	_ =	strace $0x90000048  }
0xb6: {  	_ =	sfence  }
0xb7: {  	s30 =	sld [smem:$0x0];
	_ =	sdelay $0x2  }
0xb8: {  	s31 =	sshll.u32 s1, $0xD;
	s1 =	sshrl.u32 s1, $0x2  }
0xb9: {  	s3 =	sand.u32 $0x4000, s31;
	s1 =	sadd.s32 s1, s30  }
0xba: {  	s0 =	sor.u32 s3, s0;
	s1 =	sshll.u32 s1, $0x11  }
0xbb: {  	s0 =	sor.u32 s1, s0  }
0xbc: {  	s0 =	sadd.s32 $0x8F2B, s0  }
0xbd: {  	[sflag:s0] =	ssyncadd.remote.s32 $0x1  }
0xbe: {  	_ =	sfence.sel $0xFFFF  }
0xbf: {  	[dreg:$0x0] =	wrdreg $0xFFFFFFFF;
	(pc) =	sbr.abs _section_cstart, $3  }
0xc0: {  	[dreg:$0x1] =	wrdreg $0xFFFFFFFF  }
0xc1: {  	_ =	task.clear_ibuf [dreg:s7], $0x2FFFF;
	_ =	strace $0x9FFFFFFF  }
0xc2: {  	(tm) =	ssettm $0x7FFFFFFF  }
0xc3: {  	_ =	shalt  }
tec
execute0_lowered:
.L_overlay_start_1:
0x0: {  	(tag) =	ssettag $0x1  }
0x1: {  	s0 =	rddreg [dreg:$0x0];
	s1 =	simm.s32 $0x0;
	s2 =	srdreg.scid  }
0x2: {  	s4 =	stileid.u32;
	[smem:$0x7FF] =	sst s1;
	s2 =	sand.u32 $0x1, s2  }
0x3: {  	s4 =	sshll.u32 s4, $0x7;
	s3 =	ssub.s32 $0x2, s2;
	s2 =	sshll.u32 s2, $0x6  }
0x4: {  	s5 =	sadd.s32 $0x6E00, s0;
	s6 =	sshrl.u32 s3, $0x1;
	s4 =	sor.u32 s2, s4  }
0x5: {  	s3 =	ssub.s32 s3, s6;
	s2 =	sadd.s32 s5, s4;
	s6 =	sor.u32 $0x800, s4  }
0x6: {  	s8 =	sor.u32 $0x1800, s4;
	s19 =	sor.u32 $0x2000, s4;
	s7 =	sadd.s32 s5, s6  }
0x7: {  	s20 =	sor.u32 $0x2800, s4;
	s18 =	sadd.s32 s5, s8;
	[dreg:$0x3] =	wrdreg s7  }
0x8: {  	s11 =	sor.u32 $0x3000, s4;
	s10 =	sadd.s32 s5, s19;
	[dreg:$0x5] =	wrdreg s18  }
0x9: {  	s22 =	sor.u32 $0x3800, s4;
	s12 =	sadd.s32 s5, s20;
	[dreg:$0x6] =	wrdreg s10  }
0xa: {  	s23 =	sor.u32 $0x4000, s4;
	s21 =	sadd.s32 s5, s11;
	[dreg:$0x7] =	wrdreg s12  }
0xb: {  	s14 =	sor.u32 $0x4800, s4;
	s13 =	sadd.s32 s5, s22;
	[dreg:$0x8] =	wrdreg s21  }
0xc: {  	s25 =	sor.u32 $0x5000, s4;
	s15 =	sadd.s32 s5, s23;
	[dreg:$0x9] =	wrdreg s13  }
0xd: {  	s26 =	sor.u32 $0x5800, s4;
	s24 =	sadd.s32 s5, s14;
	[dreg:$0xa] =	wrdreg s15  }
0xe: {  	s17 =	sor.u32 $0x6000, s4;
	s16 =	sadd.s32 s5, s25;
	[dreg:$0xb] =	wrdreg s24  }
0xf: {  	s7 =	sor.u32 $0x1000, s4;
	[dreg:$0xc] =	wrdreg s16;
	s18 =	sadd.s32 s5, s26  }
0x10: {  	s9 =	sadd.s32 s5, s7;
	[dreg:$0xd] =	wrdreg s18;
	s5 =	sadd.s32 s5, s17  }
0x11: {  	[dreg:$0xe] =	wrdreg s5;
	s5 =	sadd.s32 $0x600, s0  }
0x12: {  	s31 =	sadd.s32 $0x13E00, s0;
	[dreg:$0x4] =	wrdreg s9;
	s6 =	sadd.s32 s5, s6  }
0x13: {  	s24 =	sadd.s32 s5, s25;
	s25 =	sadd.s32 s5, s26;
	s26 =	rddreg [dreg:$0x1]  }
0x14: {  	s10 =	sadd.s32 $0xA000, s2;
	s7 =	sadd.s32 s5, s7;
	[dreg:$0xf] =	wrdreg s6  }
0x15: {  	s12 =	sadd.s32 $0xB000, s2;
	s8 =	sadd.s32 s5, s8;
	[dreg:$0x10] =	wrdreg s7  }
0x16: {  	s13 =	sadd.s32 $0xB800, s2;
	s18 =	sadd.s32 s5, s19;
	[dreg:$0x11] =	wrdreg s8  }
0x17: {  	s15 =	sadd.s32 $0xC800, s2;
	s19 =	sadd.s32 s5, s20;
	[dreg:$0x12] =	wrdreg s18  }
0x18: {  	s16 =	simm.s32 $0x1;
	s20 =	sadd.s32 s5, s11;
	[dreg:$0x13] =	wrdreg s19  }
0x19: {  	v0 =	vimm.s32 $0x100000;
	s9 =	sadd.s32 $0x9800, s2;
	s21 =	sadd.s32 s5, s22;
	[dreg:$0x14] =	wrdreg s20  }
0x1a: {  	v1 =	vimm.s32 $0x200000;
	v2 =	vimm.s32 $0x300000;
	v3 =	vimm.s32 $0x400000;
	s22 =	sadd.s32 s5, s23;
	s23 =	sadd.s32 s5, s14;
	[dreg:$0x15] =	wrdreg s21  }
0x1b: {  	v4 =	vimm.s32 $0x500000;
	v5 =	vimm.s32 $0x600000;
	v6 =	vimm.s32 $0x700000;
	s28 =	sadd.s32 s5, s17;
	s29 =	sadd.s32 s5, s4;
	[dreg:$0x16] =	wrdreg s22  }
0x1c: {  	v7 =	vimm.s32 $0x800000;
	v8 =	vimm.s32 $0x900000;
	v9 =	vimm.s32 $0xA00000;
	s5 =	sadd.s32 $0x7800, s2;
	s11 =	sadd.s32 $0xA800, s2;
	[dreg:$0x17] =	wrdreg s23  }
0x1d: {  	v10 =	vimm.s32 $0xB00000;
	v11 =	vimm.s32 $0xC00000;
	v12 =	vimm.s32 $0xD00000;
	s14 =	sadd.s32 $0xC000, s2;
	s17 =	simm.s32 $0x2;
	[dreg:$0x18] =	wrdreg s24  }
0x1e: {  	v13 =	vimm.s32 $0xE00000;
	v14 =	vimm.s32 $0xF00000;
	v15 =	vimm.s32 $0x1000000;
	[dreg:$0x19] =	wrdreg s25;
	s30 =	sadd.s32 s26, s4;
	s23 =	sadd.s32 $0x353E00, s0  }
0x1f: {  	v16 =	vimm.s32 $0x1100000;
	v17 =	vimm.s32 $0x1200000;
	v18 =	vimm.s32 $0x1300000;
	s0 =	smax.u32 s3, $0x1;
	s3 =	sadd.s32 $0x6800, s2;
	s4 =	sadd.s32 $0x7000, s2  }
0x20: {  	v19 =	vimm.s32 $0x1400000;
	v20 =	vimm.s32 $0x1500000;
	v21 =	vimm.s32 $0x1600000;
	s6 =	sadd.s32 $0x8000, s2;
	s7 =	sadd.s32 $0x8800, s2;
	s8 =	sadd.s32 $0x9000, s2  }
0x21: {  	v22 =	vimm.s32 $0x1700000;
	v23 =	vimm.s32 $0x1800000;
	v24 =	vimm.s32 $0x1900000;
	s18 =	simm.s32 $0x3;
	s19 =	simm.s32 $0x0;
	_ =	strace $0x80000047  }
.LBB2_1:
0x22: {  	[tilespmem:s1], [sflag:$0x1] =	stream.linear.gather [hbm4b:s2+s1], $0x200, $0x38;
	[tilespmem:$0x8480] =	vst v63  }
0x23: {  	s20 =	rddreg [dreg:$0x3];
	s21 =	simm.s32 $0x200  }
0x24: {  	[tilespmem:s21], [sflag:$0x1] =	stream.linear.gather [hbm4b:s20+s1], $0x200, $0x38;
	[tilespmem:$0x8480] =	vst v63  }
0x25: {  	s25 =	rddreg [dreg:$0x4];
	s26 =	simm.s32 $0x400  }
0x26: {  	[tilespmem:s26], [sflag:$0x1] =	stream.linear.gather [hbm4b:s25+s1], $0x200, $0x38;
	[tilespmem:$0x8480] =	vst v63  }
0x27: {  	s22 =	rddreg [dreg:$0x5];
	s24 =	simm.s32 $0x600  }
0x28: {  	[tilespmem:s24], [sflag:$0x1] =	stream.linear.gather [hbm4b:s22+s1], $0x200, $0x38;
	[tilespmem:$0x8480] =	vst v63  }
0x29: {  	s25 =	rddreg [dreg:$0x6];
	s26 =	simm.s32 $0x800  }
0x2a: {  	[tilespmem:s26], [sflag:$0x1] =	stream.linear.gather [hbm4b:s25+s1], $0x200, $0x38;
	[tilespmem:$0x8480] =	vst v63  }
0x2b: {  	s22 =	rddreg [dreg:$0x7];
	s24 =	simm.s32 $0xA00  }
0x2c: {  	[tilespmem:s24], [sflag:$0x1] =	stream.linear.gather [hbm4b:s22+s1], $0x200, $0x38;
	[tilespmem:$0x8480] =	vst v63  }
0x2d: {  	s25 =	rddreg [dreg:$0x8];
	s26 =	simm.s32 $0xC00  }
0x2e: {  	[tilespmem:s26], [sflag:$0x1] =	stream.linear.gather [hbm4b:s25+s1], $0x200, $0x38;
	[tilespmem:$0x8480] =	vst v63  }
0x2f: {  	s22 =	rddreg [dreg:$0x9];
	s24 =	simm.s32 $0xE00  }
0x30: {  	[tilespmem:s24], [sflag:$0x1] =	stream.linear.gather [hbm4b:s22+s1], $0x200, $0x38;
	[tilespmem:$0x8480] =	vst v63  }
0x31: {  	s25 =	rddreg [dreg:$0xa];
	s26 =	simm.s32 $0x1000  }
0x32: {  	[tilespmem:s26], [sflag:$0x1] =	stream.linear.gather [hbm4b:s25+s1], $0x200, $0x38;
	[tilespmem:$0x8480] =	vst v63  }
0x33: {  	s22 =	rddreg [dreg:$0xb];
	s24 =	simm.s32 $0x1200  }
0x34: {  	[tilespmem:s24], [sflag:$0x1] =	stream.linear.gather [hbm4b:s22+s1], $0x200, $0x38;
	[tilespmem:$0x8480] =	vst v63  }
0x35: {  	s25 =	rddreg [dreg:$0xc];
	s26 =	simm.s32 $0x1400  }
0x36: {  	[tilespmem:s26], [sflag:$0x1] =	stream.linear.gather [hbm4b:s25+s1], $0x200, $0x38;
	[tilespmem:$0x8480] =	vst v63  }
0x37: {  	s21 =	rddreg [dreg:$0xd];
	s22 =	simm.s32 $0x1600  }
0x38: {  	[tilespmem:s22], [sflag:$0x1] =	stream.linear.gather [hbm4b:s21+s1], $0x200, $0x38;
	[tilespmem:$0x8480] =	vst v63  }
0x39: {  	s24 =	rddreg [dreg:$0xe];
	s25 =	simm.s32 $0x1800  }
0x3a: {  	[tilespmem:s25], [sflag:$0x1] =	stream.linear.gather [hbm4b:s24+s1], $0x200, $0x38;
	[tilespmem:$0x8480] =	vst v63  }
0x3b: {  	s26 =	simm.s32 $0x1A00  }
0x3c: {  	[tilespmem:s26], [sflag:$0x1] =	stream.linear.gather [hbm4b:s3+s1], $0x200, $0x38;
	[tilespmem:$0x8480] =	vst v63  }
0x3d: {  	s21 =	simm.s32 $0x1C00  }
0x3e: {  	[tilespmem:s21], [sflag:$0x1] =	stream.linear.gather [hbm4b:s4+s1], $0x200, $0x38;
	[tilespmem:$0x8480] =	vst v63  }
0x3f: {  	s22 =	simm.s32 $0x1E00  }
0x40: {  	[tilespmem:s22], [sflag:$0x1] =	stream.linear.gather [hbm4b:s5+s1], $0x200, $0x38;
	[tilespmem:$0x8480] =	vst v63  }
0x41: {  	s24 =	simm.s32 $0x2000  }
0x42: {  	[tilespmem:s24], [sflag:$0x1] =	stream.linear.gather [hbm4b:s6+s1], $0x200, $0x38;
	[tilespmem:$0x8480] =	vst v63  }
0x43: {  	s25 =	simm.s32 $0x2200  }
0x44: {  	[tilespmem:s25], [sflag:$0x1] =	stream.linear.gather [hbm4b:s7+s1], $0x200, $0x38;
	[tilespmem:$0x8480] =	vst v63  }
0x45: {  	s26 =	simm.s32 $0x2400  }
0x46: {  	[tilespmem:s26], [sflag:$0x1] =	stream.linear.gather [hbm4b:s8+s1], $0x200, $0x38;
	[tilespmem:$0x8480] =	vst v63  }
0x47: {  	s21 =	simm.s32 $0x2600  }
0x48: {  	[tilespmem:s21], [sflag:$0x1] =	stream.linear.gather [hbm4b:s9+s1], $0x200, $0x38;
	[tilespmem:$0x8480] =	vst v63  }
0x49: {  	s22 =	simm.s32 $0x2800  }
0x4a: {  	[tilespmem:s22], [sflag:$0x1] =	stream.linear.gather [hbm4b:s10+s1], $0x200, $0x38;
	[tilespmem:$0x8480] =	vst v63  }
0x4b: {  	s24 =	simm.s32 $0x2A00  }
0x4c: {  	[tilespmem:s24], [sflag:$0x1] =	stream.linear.gather [hbm4b:s11+s1], $0x200, $0x38;
	[tilespmem:$0x8480] =	vst v63  }
0x4d: {  	s25 =	simm.s32 $0x2C00  }
0x4e: {  	[tilespmem:s25], [sflag:$0x1] =	stream.linear.gather [hbm4b:s12+s1], $0x200, $0x38;
	[tilespmem:$0x8480] =	vst v63  }
0x4f: {  	s26 =	simm.s32 $0x2E00  }
0x50: {  	[tilespmem:s26], [sflag:$0x1] =	stream.linear.gather [hbm4b:s13+s1], $0x200, $0x38;
	[tilespmem:$0x8480] =	vst v63  }
0x51: {  	s21 =	simm.s32 $0x3000  }
0x52: {  	[tilespmem:s21], [sflag:$0x1] =	stream.linear.gather [hbm4b:s14+s1], $0x200, $0x38;
	[tilespmem:$0x8480] =	vst v63  }
0x53: {  	s22 =	simm.s32 $0x3200  }
0x54: {  	[tilespmem:s22], [sflag:$0x1] =	stream.linear.gather [hbm4b:s15+s1], $0x200, $0x38;
	[tilespmem:$0x8480] =	vst v63  }
0x55: {  	s24 =	simm.s32 $0x6800  }
0x56: {  	[tilespmem:s24], [sflag:$0x2] =	stream.linear.gather [hbm4b:s29+s1], $0x200, $0x38;
	[tilespmem:$0x8480] =	vst v63  }
0x57: {  	s25 =	rddreg [dreg:$0xf];
	s26 =	simm.s32 $0x6A00  }
0x58: {  	[tilespmem:s26], [sflag:$0x2] =	stream.linear.gather [hbm4b:s25+s1], $0x200, $0x38;
	[tilespmem:$0x8480] =	vst v63  }
0x59: {  	s22 =	rddreg [dreg:$0x10];
	s24 =	simm.s32 $0x6C00  }
0x5a: {  	[tilespmem:s24], [sflag:$0x2] =	stream.linear.gather [hbm4b:s22+s1], $0x200, $0x38;
	[tilespmem:$0x8480] =	vst v63  }
0x5b: {  	s25 =	rddreg [dreg:$0x11];
	s26 =	simm.s32 $0x6E00  }
0x5c: {  	[tilespmem:s26], [sflag:$0x2] =	stream.linear.gather [hbm4b:s25+s1], $0x200, $0x38;
	[tilespmem:$0x8480] =	vst v63  }
0x5d: {  	s22 =	rddreg [dreg:$0x12];
	s24 =	simm.s32 $0x7000  }
0x5e: {  	[tilespmem:s24], [sflag:$0x2] =	stream.linear.gather [hbm4b:s22+s1], $0x200, $0x38;
	[tilespmem:$0x8480] =	vst v63  }
0x5f: {  	s25 =	rddreg [dreg:$0x13];
	s26 =	simm.s32 $0x7200  }
0x60: {  	[tilespmem:s26], [sflag:$0x2] =	stream.linear.gather [hbm4b:s25+s1], $0x200, $0x38;
	[tilespmem:$0x8480] =	vst v63  }
0x61: {  	s22 =	rddreg [dreg:$0x14];
	s24 =	simm.s32 $0x7400  }
0x62: {  	[tilespmem:s24], [sflag:$0x2] =	stream.linear.gather [hbm4b:s22+s1], $0x200, $0x38;
	[tilespmem:$0x8480] =	vst v63  }
0x63: {  	s25 =	rddreg [dreg:$0x15];
	s26 =	simm.s32 $0x7600  }
0x64: {  	[tilespmem:s26], [sflag:$0x2] =	stream.linear.gather [hbm4b:s25+s1], $0x200, $0x38;
	[tilespmem:$0x8480] =	vst v63  }
0x65: {  	s22 =	rddreg [dreg:$0x16];
	s24 =	simm.s32 $0x7800  }
0x66: {  	[tilespmem:s24], [sflag:$0x2] =	stream.linear.gather [hbm4b:s22+s1], $0x200, $0x38;
	[tilespmem:$0x8480] =	vst v63  }
0x67: {  	s25 =	rddreg [dreg:$0x17];
	s26 =	simm.s32 $0x7A00  }
0x68: {  	[tilespmem:s26], [sflag:$0x2] =	stream.linear.gather [hbm4b:s25+s1], $0x200, $0x38;
	[tilespmem:$0x8480] =	vst v63  }
0x69: {  	s22 =	rddreg [dreg:$0x18];
	s24 =	simm.s32 $0x7C00  }
0x6a: {  	[tilespmem:s24], [sflag:$0x2] =	stream.linear.gather [hbm4b:s22+s1], $0x200, $0x38;
	[tilespmem:$0x8480] =	vst v63  }
0x6b: {  	s25 =	rddreg [dreg:$0x19];
	s26 =	simm.s32 $0x7E00  }
0x6c: {  	[tilespmem:s26], [sflag:$0x2] =	stream.linear.gather [hbm4b:s25+s1], $0x200, $0x38;
	[tilespmem:$0x8480] =	vst v63  }
0x6d: {  	s21 =	simm.s32 $0x8000  }
0x6e: {  	[tilespmem:s21], [sflag:$0x2] =	stream.linear.gather [hbm4b:s28+s1], $0x200, $0x38;
	[tilespmem:$0x8480] =	vst v63  }
0x6f: {  	s22 =	simm.s32 $0x8200  }
0x70: {  	[tilespmem:s22], [sflag:$0x2] =	stream.linear.gather [hbm4b:s23+s1], $0x80, $0x38;
	[tilespmem:$0x8480] =	vst v63  }
0x71: {  	_ =	swait.ge [sflag:s16], $0x200  }
0x72: {  	[sflag:s16] =	ssyncset.done $0x0  }
0x73: {  	[sflag:s16] =	ssyncadd.s32 $0xFFFFFE00  }
0x74: {  	_ =	swait.ge [sflag:s16], $0x200  }
0x75: {  	[sflag:s16] =	ssyncset.done $0x0  }
0x76: {  	[sflag:s16] =	ssyncadd.s32 $0xFFFFFE00  }
0x77: {  	_ =	swait.ge [sflag:s16], $0x200  }
0x78: {  	[sflag:s16] =	ssyncset.done $0x0  }
0x79: {  	[sflag:s16] =	ssyncadd.s32 $0xFFFFFE00  }
0x7a: {  	_ =	swait.ge [sflag:s16], $0x200  }
0x7b: {  	[sflag:s16] =	ssyncset.done $0x0  }
0x7c: {  	[sflag:s16] =	ssyncadd.s32 $0xFFFFFE00  }
0x7d: {  	_ =	swait.ge [sflag:s16], $0x200  }
0x7e: {  	[sflag:s16] =	ssyncset.done $0x0  }
0x7f: {  	[sflag:s16] =	ssyncadd.s32 $0xFFFFFE00  }
0x80: {  	_ =	swait.ge [sflag:s16], $0x200  }
0x81: {  	[sflag:s16] =	ssyncset.done $0x0  }
0x82: {  	[sflag:s16] =	ssyncadd.s32 $0xFFFFFE00  }
0x83: {  	_ =	swait.ge [sflag:s16], $0x200  }
0x84: {  	[sflag:s16] =	ssyncset.done $0x0  }
0x85: {  	[sflag:s16] =	ssyncadd.s32 $0xFFFFFE00  }
0x86: {  	_ =	swait.ge [sflag:s16], $0x200  }
0x87: {  	[sflag:s16] =	ssyncset.done $0x0  }
0x88: {  	[sflag:s16] =	ssyncadd.s32 $0xFFFFFE00  }
0x89: {  	_ =	swait.ge [sflag:s16], $0x200  }
0x8a: {  	[sflag:s16] =	ssyncset.done $0x0  }
0x8b: {  	[sflag:s16] =	ssyncadd.s32 $0xFFFFFE00  }
0x8c: {  	_ =	swait.ge [sflag:s16], $0x200  }
0x8d: {  	[sflag:s16] =	ssyncset.done $0x0  }
0x8e: {  	[sflag:s16] =	ssyncadd.s32 $0xFFFFFE00  }
0x8f: {  	_ =	swait.ge [sflag:s16], $0x200  }
0x90: {  	[sflag:s16] =	ssyncset.done $0x0  }
0x91: {  	[sflag:s16] =	ssyncadd.s32 $0xFFFFFE00  }
0x92: {  	_ =	swait.ge [sflag:s16], $0x200  }
0x93: {  	[sflag:s16] =	ssyncset.done $0x0  }
0x94: {  	[sflag:s16] =	ssyncadd.s32 $0xFFFFFE00  }
0x95: {  	_ =	swait.ge [sflag:s16], $0x200  }
0x96: {  	[sflag:s16] =	ssyncset.done $0x0  }
0x97: {  	[sflag:s16] =	ssyncadd.s32 $0xFFFFFE00  }
0x98: {  	_ =	swait.ge [sflag:s16], $0x200  }
0x99: {  	[sflag:s16] =	ssyncset.done $0x0  }
0x9a: {  	[sflag:s16] =	ssyncadd.s32 $0xFFFFFE00  }
0x9b: {  	_ =	swait.ge [sflag:s16], $0x200  }
0x9c: {  	[sflag:s16] =	ssyncset.done $0x0  }
0x9d: {  	[sflag:s16] =	ssyncadd.s32 $0xFFFFFE00  }
0x9e: {  	_ =	swait.ge [sflag:s16], $0x200  }
0x9f: {  	[sflag:s16] =	ssyncset.done $0x0  }
0xa0: {  	[sflag:s16] =	ssyncadd.s32 $0xFFFFFE00  }
0xa1: {  	_ =	swait.ge [sflag:s16], $0x200  }
0xa2: {  	[sflag:s16] =	ssyncset.done $0x0  }
0xa3: {  	[sflag:s16] =	ssyncadd.s32 $0xFFFFFE00  }
0xa4: {  	_ =	swait.ge [sflag:s16], $0x200  }
0xa5: {  	[sflag:s16] =	ssyncset.done $0x0  }
0xa6: {  	[sflag:s16] =	ssyncadd.s32 $0xFFFFFE00  }
0xa7: {  	_ =	swait.ge [sflag:s16], $0x200  }
0xa8: {  	[sflag:s16] =	ssyncset.done $0x0  }
0xa9: {  	[sflag:s16] =	ssyncadd.s32 $0xFFFFFE00  }
0xaa: {  	_ =	swait.ge [sflag:s16], $0x200  }
0xab: {  	[sflag:s16] =	ssyncset.done $0x0  }
0xac: {  	[sflag:s16] =	ssyncadd.s32 $0xFFFFFE00  }
0xad: {  	_ =	swait.ge [sflag:s16], $0x200  }
0xae: {  	[sflag:s16] =	ssyncset.done $0x0  }
0xaf: {  	[sflag:s16] =	ssyncadd.s32 $0xFFFFFE00  }
0xb0: {  	_ =	swait.ge [sflag:s16], $0x200  }
0xb1: {  	[sflag:s16] =	ssyncset.done $0x0  }
0xb2: {  	[sflag:s16] =	ssyncadd.s32 $0xFFFFFE00  }
0xb3: {  	_ =	swait.ge [sflag:s16], $0x200  }
0xb4: {  	[sflag:s16] =	ssyncset.done $0x0  }
0xb5: {  	[sflag:s16] =	ssyncadd.s32 $0xFFFFFE00  }
0xb6: {  	_ =	swait.ge [sflag:s16], $0x200  }
0xb7: {  	[sflag:s16] =	ssyncset.done $0x0  }
0xb8: {  	[sflag:s16] =	ssyncadd.s32 $0xFFFFFE00  }
0xb9: {  	_ =	swait.ge [sflag:s16], $0x200  }
0xba: {  	[sflag:s16] =	ssyncset.done $0x0  }
0xbb: {  	[sflag:s16] =	ssyncadd.s32 $0xFFFFFE00  }
0xbc: {  	_ =	swait.ge [sflag:s16], $0x200  }
0xbd: {  	s22 =	sand.u32 $0x1F0, s1;
	[sflag:s16] =	ssyncset.done $0x0  }
0xbe: {  	s24 =	sor.u32 $0x200, s22;
	[sflag:s16] =	ssyncadd.s32 $0xFFFFFE00  }
0xbf: {  	s25 =	sor.u32 $0x400, s22;
	[tilespmem:s24+$0x0] =	vst.add.s32.msk $0xffff, v0  }
0xc0: {  	s26 =	sor.u32 $0x600, s22;
	[tilespmem:s25+$0x0] =	vst.add.s32.msk $0xffff, v1  }
0xc1: {  	s21 =	sor.u32 $0x800, s22;
	[tilespmem:s26+$0x0] =	vst.add.s32.msk $0xffff, v2  }
0xc2: {  	s24 =	sor.u32 $0xA00, s22;
	[tilespmem:s21+$0x0] =	vst.add.s32.msk $0xffff, v3  }
0xc3: {  	s25 =	sor.u32 $0xC00, s22;
	[tilespmem:s24+$0x0] =	vst.add.s32.msk $0xffff, v4  }
0xc4: {  	s26 =	sor.u32 $0xE00, s22;
	[tilespmem:s25+$0x0] =	vst.add.s32.msk $0xffff, v5  }
0xc5: {  	s21 =	sor.u32 $0x1000, s22;
	[tilespmem:s26+$0x0] =	vst.add.s32.msk $0xffff, v6  }
0xc6: {  	s24 =	sor.u32 $0x1200, s22;
	[tilespmem:s21+$0x0] =	vst.add.s32.msk $0xffff, v7  }
0xc7: {  	s25 =	sor.u32 $0x1400, s22;
	[tilespmem:s24+$0x0] =	vst.add.s32.msk $0xffff, v8  }
0xc8: {  	s26 =	sor.u32 $0x1600, s22;
	[tilespmem:s25+$0x0] =	vst.add.s32.msk $0xffff, v9  }
0xc9: {  	s21 =	sor.u32 $0x1800, s22;
	[tilespmem:s26+$0x0] =	vst.add.s32.msk $0xffff, v10  }
0xca: {  	s24 =	sor.u32 $0x1A00, s22;
	[tilespmem:s21+$0x0] =	vst.add.s32.msk $0xffff, v11  }
0xcb: {  	s25 =	sor.u32 $0x1C00, s22;
	[tilespmem:s24+$0x0] =	vst.add.s32.msk $0xffff, v12  }
0xcc: {  	s26 =	sor.u32 $0x1E00, s22;
	[tilespmem:s25+$0x0] =	vst.add.s32.msk $0xffff, v13  }
0xcd: {  	s21 =	sor.u32 $0x2000, s22;
	[tilespmem:s26+$0x0] =	vst.add.s32.msk $0xffff, v14  }
0xce: {  	s24 =	sor.u32 $0x2200, s22;
	[tilespmem:s21+$0x0] =	vst.add.s32.msk $0xffff, v15  }
0xcf: {  	s25 =	sor.u32 $0x2400, s22;
	[tilespmem:s24+$0x0] =	vst.add.s32.msk $0xffff, v16  }
0xd0: {  	s26 =	sor.u32 $0x2600, s22;
	[tilespmem:s25+$0x0] =	vst.add.s32.msk $0xffff, v17  }
0xd1: {  	s21 =	sor.u32 $0x2800, s22;
	[tilespmem:s26+$0x0] =	vst.add.s32.msk $0xffff, v18  }
0xd2: {  	s24 =	sor.u32 $0x2A00, s22;
	[tilespmem:s21+$0x0] =	vst.add.s32.msk $0xffff, v19  }
0xd3: {  	s25 =	sor.u32 $0x2C00, s22;
	[tilespmem:s24+$0x0] =	vst.add.s32.msk $0xffff, v20  }
0xd4: {  	s26 =	sor.u32 $0x2E00, s22;
	[tilespmem:s25+$0x0] =	vst.add.s32.msk $0xffff, v21  }
0xd5: {  	s20 =	simm.s32 $0x10;
	s21 =	sor.u32 $0x3200, s22;
	s24 =	sor.u32 $0x3000, s22;
	[tilespmem:s26+$0x0] =	vst.add.s32.msk $0xffff, v22  }
.LBB2_2:
0xd6: {  	s22 =	sand.u32 $0x1F0, s20;
	p0 =	sne.s32 s20, $0x1F0;
	s20 =	sadd.s32 $0x10, s20;
	[tilespmem:s24+$0x0] =	vst.add.s32.msk $0xffff, v23  }
0xd7: {  	s24 =	sor.u32 $0x200, s22;
	[tilespmem:s21+$0x0] =	vst.add.s32.msk $0xffff, v24;
	s21 =	sor.u32 $0x3200, s22  }
0xd8: {  	[tilespmem:s24+$0x0] =	vst.add.s32.msk $0xffff, v0;
	s24 =	sor.u32 $0x400, s22  }
0xd9: {  	[tilespmem:s24+$0x0] =	vst.add.s32.msk $0xffff, v1;
	s24 =	sor.u32 $0x600, s22  }
0xda: {  	[tilespmem:s24+$0x0] =	vst.add.s32.msk $0xffff, v2;
	s24 =	sor.u32 $0x800, s22  }
0xdb: {  	[tilespmem:s24+$0x0] =	vst.add.s32.msk $0xffff, v3;
	s24 =	sor.u32 $0xA00, s22  }
0xdc: {  	[tilespmem:s24+$0x0] =	vst.add.s32.msk $0xffff, v4;
	s24 =	sor.u32 $0xC00, s22  }
0xdd: {  	[tilespmem:s24+$0x0] =	vst.add.s32.msk $0xffff, v5;
	s24 =	sor.u32 $0xE00, s22  }
0xde: {  	[tilespmem:s24+$0x0] =	vst.add.s32.msk $0xffff, v6;
	s24 =	sor.u32 $0x1000, s22  }
0xdf: {  	[tilespmem:s24+$0x0] =	vst.add.s32.msk $0xffff, v7;
	s24 =	sor.u32 $0x1200, s22  }
0xe0: {  	[tilespmem:s24+$0x0] =	vst.add.s32.msk $0xffff, v8;
	s24 =	sor.u32 $0x1400, s22  }
0xe1: {  	[tilespmem:s24+$0x0] =	vst.add.s32.msk $0xffff, v9;
	s24 =	sor.u32 $0x1600, s22  }
0xe2: {  	[tilespmem:s24+$0x0] =	vst.add.s32.msk $0xffff, v10;
	s24 =	sor.u32 $0x1800, s22  }
0xe3: {  	[tilespmem:s24+$0x0] =	vst.add.s32.msk $0xffff, v11;
	s24 =	sor.u32 $0x1A00, s22  }
0xe4: {  	[tilespmem:s24+$0x0] =	vst.add.s32.msk $0xffff, v12;
	s24 =	sor.u32 $0x1C00, s22  }
0xe5: {  	[tilespmem:s24+$0x0] =	vst.add.s32.msk $0xffff, v13;
	s24 =	sor.u32 $0x1E00, s22  }
0xe6: {  	[tilespmem:s24+$0x0] =	vst.add.s32.msk $0xffff, v14;
	s24 =	sor.u32 $0x2000, s22  }
0xe7: {  	[tilespmem:s24+$0x0] =	vst.add.s32.msk $0xffff, v15;
	s24 =	sor.u32 $0x2200, s22  }
0xe8: {  	[tilespmem:s24+$0x0] =	vst.add.s32.msk $0xffff, v16;
	s24 =	sor.u32 $0x2400, s22  }
0xe9: {  	[tilespmem:s24+$0x0] =	vst.add.s32.msk $0xffff, v17;
	s24 =	sor.u32 $0x2600, s22  }
.Ltmp0:
0xea: {  	[tilespmem:s24+$0x0] =	vst.add.s32.msk $0xffff, v18;
	s24 =	sor.u32 $0x2800, s22;
	(pc) =	sbr.rel @p0 .LBB2_2-.Ltmp0, $4  }
0xeb: {  	[tilespmem:s24+$0x0] =	vst.add.s32.msk $0xffff, v19;
	s24 =	sor.u32 $0x2A00, s22  }
0xec: {  	[tilespmem:s24+$0x0] =	vst.add.s32.msk $0xffff, v20;
	s24 =	sor.u32 $0x2C00, s22  }
0xed: {  	[tilespmem:s24+$0x0] =	vst.add.s32.msk $0xffff, v21;
	s24 =	sor.u32 $0x2E00, s22  }
0xee: {  	[tilespmem:s24+$0x0] =	vst.add.s32.msk $0xffff, v22;
	s24 =	sor.u32 $0x3000, s22  }
0xef: {  	[tilespmem:s24+$0x0] =	vst.add.s32.msk $0xffff, v23  }
0xf0: {  	s20 =	simm.s32 $0x0;
	s24 =	simm.s32 $0x3400;
	[tilespmem:s21+$0x0] =	vst.add.s32.msk $0xffff, v24  }
0xf1: {  	[tilespmem:s24], [sflag:$0x1] =	stream.indirect.gather [hbm4b:s31+s24], $0x1, s20, s24, $0xb8;
	[tilespmem:$0x8480] =	vst v63  }
0xf2: {  	_ =	swait.ge [sflag:s16], $0x3400  }
0xf3: {  	[sflag:s16] =	ssyncset.done $0x0  }
0xf4: {  	[sflag:s16] =	ssyncadd.s32 $0xFFFFCC00  }
0xf5: {  	_ =	swait.ge [sflag:s17], $0x200  }
0xf6: {  	[sflag:s17] =	ssyncset.done $0x0  }
0xf7: {  	[sflag:s17] =	ssyncadd.s32 $0xFFFFFE00  }
0xf8: {  	_ =	swait.ge [sflag:s17], $0x200  }
0xf9: {  	[sflag:s17] =	ssyncset.done $0x0  }
0xfa: {  	[sflag:s17] =	ssyncadd.s32 $0xFFFFFE00  }
0xfb: {  	_ =	swait.ge [sflag:s17], $0x200  }
0xfc: {  	[sflag:s17] =	ssyncset.done $0x0  }
0xfd: {  	[sflag:s17] =	ssyncadd.s32 $0xFFFFFE00  }
0xfe: {  	_ =	swait.ge [sflag:s17], $0x200  }
0xff: {  	[sflag:s17] =	ssyncset.done $0x0  }
0x100: {  	[sflag:s17] =	ssyncadd.s32 $0xFFFFFE00  }
0x101: {  	_ =	swait.ge [sflag:s17], $0x200  }
0x102: {  	[sflag:s17] =	ssyncset.done $0x0  }
0x103: {  	[sflag:s17] =	ssyncadd.s32 $0xFFFFFE00  }
0x104: {  	_ =	swait.ge [sflag:s17], $0x200  }
0x105: {  	[sflag:s17] =	ssyncset.done $0x0  }
0x106: {  	[sflag:s17] =	ssyncadd.s32 $0xFFFFFE00  }
0x107: {  	_ =	swait.ge [sflag:s17], $0x200  }
0x108: {  	[sflag:s17] =	ssyncset.done $0x0  }
0x109: {  	[sflag:s17] =	ssyncadd.s32 $0xFFFFFE00  }
0x10a: {  	_ =	swait.ge [sflag:s17], $0x200  }
0x10b: {  	[sflag:s17] =	ssyncset.done $0x0  }
0x10c: {  	[sflag:s17] =	ssyncadd.s32 $0xFFFFFE00  }
0x10d: {  	_ =	swait.ge [sflag:s17], $0x200  }
0x10e: {  	[sflag:s17] =	ssyncset.done $0x0  }
0x10f: {  	[sflag:s17] =	ssyncadd.s32 $0xFFFFFE00  }
0x110: {  	_ =	swait.ge [sflag:s17], $0x200  }
0x111: {  	[sflag:s17] =	ssyncset.done $0x0  }
0x112: {  	[sflag:s17] =	ssyncadd.s32 $0xFFFFFE00  }
0x113: {  	_ =	swait.ge [sflag:s17], $0x200  }
0x114: {  	[sflag:s17] =	ssyncset.done $0x0  }
0x115: {  	[sflag:s17] =	ssyncadd.s32 $0xFFFFFE00  }
0x116: {  	_ =	swait.ge [sflag:s17], $0x200  }
0x117: {  	[sflag:s17] =	ssyncset.done $0x0  }
0x118: {  	[sflag:s17] =	ssyncadd.s32 $0xFFFFFE00  }
0x119: {  	_ =	swait.ge [sflag:s17], $0x200  }
0x11a: {  	[sflag:s17] =	ssyncset.done $0x0  }
0x11b: {  	[sflag:s17] =	ssyncadd.s32 $0xFFFFFE00  }
0x11c: {  	_ =	swait.ge [sflag:s17], $0x80  }
0x11d: {  	[sflag:s17] =	ssyncset.done $0x0  }
0x11e: {  	s25 =	simm.s32 $0x4000;
	[sflag:s17] =	ssyncadd.s32 $0xFFFFFF80  }
0x11f: {  	v25 =	vld [tilespmem:s25+$0xFFFFF600]  }
0x120: {  	v26 =	vld [tilespmem:s25+$0xFFFFF400];
	_ =	sdelay $0x1  }
0x121: {  	v27 =	vld [tilespmem:s25+$0xFFFFF800];
	_ =	sdelay $0x1  }
0x122: {  	v28 =	vld [tilespmem:s25+$0xFFFFFA00]  }
0x123: {  	v25 =	vadd.f32 v25, v26  }
0x124: {  	v26 =	vld [tilespmem:s25+$0xFFFFFC00]  }
0x125: {  	v25 =	vadd.f32 v27, v25  }
0x126: {  	v27 =	vld [tilespmem:s25+$0xFFFFFE00]  }
0x127: {  	v25 =	vadd.f32 v28, v25  }
0x128: {  	v28 =	vld [tilespmem:s25+$0x0]  }
0x129: {  	v25 =	vadd.f32 v26, v25  }
0x12a: {  	v26 =	vld [tilespmem:s25+$0x200]  }
0x12b: {  	v25 =	vadd.f32 v27, v25  }
0x12c: {  	v27 =	vld [tilespmem:s25+$0x400]  }
0x12d: {  	v25 =	vadd.f32 v28, v25  }
0x12e: {  	v28 =	vld [tilespmem:s25+$0x600]  }
0x12f: {  	v25 =	vadd.f32 v26, v25  }
0x130: {  	v26 =	vld [tilespmem:s25+$0x800]  }
0x131: {  	v25 =	vadd.f32 v27, v25  }
0x132: {  	v27 =	vld [tilespmem:s25+$0xA00]  }
0x133: {  	v25 =	vadd.f32 v28, v25  }
0x134: {  	v28 =	vld [tilespmem:s25+$0xC00]  }
0x135: {  	s26 =	sand.u32 $0x1F0, s20;
	v25 =	vadd.f32 v26, v25  }
0x136: {  	v26 =	vld [tilespmem:s26+$0x4E00]  }
0x137: {  	v25 =	vadd.f32 v27, v25  }
0x138: {  	v27 =	vld [tilespmem:s26+$0x5000]  }
0x139: {  	v25 =	vadd.f32 v28, v25  }
0x13a: {  	v28 =	vld [tilespmem:s26+$0x5200]  }
0x13b: {  	v25 =	vadd.f32 v26, v25  }
0x13c: {  	v26 =	vld [tilespmem:s26+$0x5400]  }
0x13d: {  	v25 =	vadd.f32 v27, v25  }
0x13e: {  	v27 =	vld [tilespmem:s26+$0x5600]  }
0x13f: {  	v25 =	vadd.f32 v28, v25  }
0x140: {  	v28 =	vld [tilespmem:s26+$0x5800]  }
0x141: {  	v25 =	vadd.f32 v26, v25  }
0x142: {  	v26 =	vld [tilespmem:s26+$0x5A00]  }
0x143: {  	v25 =	vadd.f32 v27, v25  }
0x144: {  	v27 =	vld [tilespmem:s26+$0x5C00]  }
0x145: {  	v25 =	vadd.f32 v28, v25  }
0x146: {  	v28 =	vld [tilespmem:s26+$0x5E00]  }
0x147: {  	v25 =	vadd.f32 v26, v25  }
0x148: {  	v26 =	vld [tilespmem:s26+$0x6000]  }
0x149: {  	v25 =	vadd.f32 v27, v25  }
0x14a: {  	v27 =	vld [tilespmem:s26+$0x6200]  }
0x14b: {  	v37 =	vld [tilespmem:$0x8200];
	v25 =	vadd.f32 v28, v25  }
0x14c: {  	v28 =	vld [tilespmem:s26+$0x6400]  }
0x14d: {  	s20 =	simm.s32 $0x7400;
	v29 =	vld [tilespmem:s26+$0x6600];
	v25 =	vadd.f32 v26, v25  }
0x14e: {  	v30 =	vld [tilespmem:s20+$0xFFFFF400]  }
0x14f: {  	v26 =	vadd.f32 v27, v25  }
0x150: {  	v31 =	vld [tilespmem:s20+$0xFFFFF600]  }
0x151: {  	v25 =	vbroadcast v37, $0x0;
	v27 =	vadd.f32 v28, v26  }
0x152: {  	v32 =	vld [tilespmem:s20+$0xFFFFF800]  }
0x153: {  	v26 =	vbroadcast v37, $0x1;
	v28 =	vadd.f32 v29, v27;
	v29 =	vmul.f32 v30, v25  }
0x154: {  	v30 =	vld [tilespmem:s20+$0xFFFFFA00]  }
0x155: {  	v27 =	vbroadcast v37, $0x2;
	v31 =	vmul.f32 v31, v26;
	v29 =	vadd.f32 v29, v28  }
0x156: {  	v33 =	vld [tilespmem:s20+$0xFFFFFC00]  }
0x157: {  	v28 =	vbroadcast v37, $0x3;
	v32 =	vmul.f32 v32, v27;
	v31 =	vadd.f32 v31, v29  }
0x158: {  	v34 =	vld [tilespmem:s20+$0xFFFFFE00]  }
0x159: {  	v29 =	vbroadcast v37, $0x4;
	v60 =	vmul.f32 v30, v28;
	v31 =	vadd.f32 v32, v31  }
0x15a: {  	v35 =	vld [tilespmem:s20+$0x0]  }
0x15b: {  	v30 =	vbroadcast v37, $0x5;
	v33 =	vmul.f32 v33, v29;
	v32 =	vadd.f32 v60, v31  }
0x15c: {  	v36 =	vld [tilespmem:s20+$0x200]  }
0x15d: {  	v34 =	vmul.f32 v34, v30;
	v31 =	vbroadcast v37, $0x6;
	v33 =	vadd.f32 v33, v32  }
0x15e: {  	v38 =	vld [tilespmem:s20+$0x400]  }
0x15f: {  	v32 =	vbroadcast v37, $0x7;
	v35 =	vmul.f32 v35, v31;
	v34 =	vadd.f32 v34, v33  }
0x160: {  	v39 =	vld [tilespmem:s20+$0x600]  }
0x161: {  	v33 =	vbroadcast v37, $0x8;
	v36 =	vmul.f32 v36, v32;
	v35 =	vadd.f32 v35, v34  }
0x162: {  	v40 =	vld [tilespmem:s20+$0x800]  }
0x163: {  	v34 =	vbroadcast v37, $0x9;
	v38 =	vmul.f32 v38, v33;
	v36 =	vadd.f32 v36, v35  }
0x164: {  	v41 =	vld [tilespmem:s20+$0xA00]  }
0x165: {  	v35 =	vbroadcast v37, $0xA;
	v39 =	vmul.f32 v39, v34;
	v38 =	vadd.f32 v38, v36  }
0x166: {  	v42 =	vld [tilespmem:s20+$0xC00]  }
0x167: {  	v36 =	vbroadcast v37, $0xB;
	v61 =	vmul.f32 v40, v35;
	v38 =	vadd.f32 v39, v38;
	_ =	sdelay $0x1  }
0x168: {  	v37 =	vbroadcast v37, $0xC;
	v62 =	vmul.f32 v41, v36;
	v38 =	vadd.f32 v61, v38;
	_ =	sdelay $0x1  }
0x169: {  	v63 =	vmul.f32 v42, v37;
	v38 =	vadd.f32 v62, v38;
	_ =	sdelay $0x1  }
0x16a: {  	v38 =	vadd.f32 v63, v38  }
0x16b: {  	s21 =	simm.s32 $0x8280  }
0x16c: {  	s22 =	simm.s32 $0x4010;
	[tilespmem:s21+$0x0] =	vst v38  }
0x16d: {  	v38 =	vld [tilespmem:s22+$0xFFFFF600]  }
0x16e: {  	s24 =	simm.s32 $0x10;
	s25 =	simm.s32 $0x20;
	v39 =	vld [tilespmem:s22+$0xFFFFF400]  }
.LBB2_4:
0x16f: {  	p0 =	sne.s32 s25, $0x1F0  }
0x170: {  	v40 =	vld [tilespmem:s22+$0xFFFFF800];
	_ =	sdelay $0x1  }
0x171: {  	v41 =	vld [tilespmem:s22+$0xFFFFFA00]  }
0x172: {  	v38 =	vadd.f32 v38, v39  }
0x173: {  	v39 =	vld [tilespmem:s22+$0xFFFFFC00]  }
0x174: {  	v38 =	vadd.f32 v40, v38  }
0x175: {  	v40 =	vld [tilespmem:s22+$0xFFFFFE00]  }
0x176: {  	v38 =	vadd.f32 v41, v38  }
0x177: {  	v41 =	vld [tilespmem:s22+$0x0]  }
0x178: {  	v38 =	vadd.f32 v39, v38  }
0x179: {  	v39 =	vld [tilespmem:s22+$0x200]  }
0x17a: {  	v38 =	vadd.f32 v40, v38  }
0x17b: {  	v40 =	vld [tilespmem:s22+$0x400]  }
0x17c: {  	v38 =	vadd.f32 v41, v38  }
0x17d: {  	v41 =	vld [tilespmem:s22+$0x600]  }
0x17e: {  	v38 =	vadd.f32 v39, v38  }
0x17f: {  	v39 =	vld [tilespmem:s22+$0x800]  }
0x180: {  	v38 =	vadd.f32 v40, v38  }
0x181: {  	v40 =	vld [tilespmem:s22+$0xA00]  }
0x182: {  	v38 =	vadd.f32 v41, v38  }
0x183: {  	v41 =	vld [tilespmem:s22+$0xC00]  }
0x184: {  	s26 =	sand.u32 $0x1F0, s24;
	s24 =	smov.u32 s25;
	v38 =	vadd.f32 v39, v38  }
0x185: {  	v39 =	vld [tilespmem:s26+$0x4E00]  }
0x186: {  	v38 =	vadd.f32 v40, v38  }
0x187: {  	v40 =	vld [tilespmem:s26+$0x5000]  }
0x188: {  	v38 =	vadd.f32 v41, v38  }
0x189: {  	v41 =	vld [tilespmem:s26+$0x5200]  }
0x18a: {  	v38 =	vadd.f32 v39, v38  }
0x18b: {  	v39 =	vld [tilespmem:s26+$0x5400]  }
0x18c: {  	v38 =	vadd.f32 v40, v38  }
0x18d: {  	v40 =	vld [tilespmem:s26+$0x5600]  }
0x18e: {  	v38 =	vadd.f32 v41, v38  }
0x18f: {  	v41 =	vld [tilespmem:s26+$0x5800]  }
0x190: {  	v38 =	vadd.f32 v39, v38  }
0x191: {  	v39 =	vld [tilespmem:s26+$0x5A00]  }
0x192: {  	v38 =	vadd.f32 v40, v38  }
0x193: {  	v40 =	vld [tilespmem:s26+$0x5C00]  }
0x194: {  	v38 =	vadd.f32 v41, v38  }
0x195: {  	v41 =	vld [tilespmem:s26+$0x5E00]  }
0x196: {  	v38 =	vadd.f32 v39, v38  }
0x197: {  	v39 =	vld [tilespmem:s26+$0x6000]  }
0x198: {  	v38 =	vadd.f32 v40, v38  }
0x199: {  	v40 =	vld [tilespmem:s26+$0x6200]  }
0x19a: {  	v38 =	vadd.f32 v41, v38  }
0x19b: {  	v41 =	vld [tilespmem:s26+$0x6400]  }
0x19c: {  	s20 =	sadd.s32 $0x10, s20;
	v38 =	vadd.f32 v39, v38;
	v39 =	vld [tilespmem:s26+$0x6600]  }
0x19d: {  	v42 =	vld [tilespmem:s20+$0xFFFFF400]  }
0x19e: {  	v38 =	vadd.f32 v40, v38  }
0x19f: {  	v40 =	vld [tilespmem:s20+$0xFFFFF600]  }
0x1a0: {  	v38 =	vadd.f32 v41, v38  }
0x1a1: {  	v41 =	vld [tilespmem:s20+$0xFFFFF800]  }
0x1a2: {  	v38 =	vadd.f32 v39, v38;
	v39 =	vmul.f32 v42, v25  }
0x1a3: {  	v42 =	vld [tilespmem:s20+$0xFFFFFA00]  }
0x1a4: {  	v38 =	vadd.f32 v39, v38;
	v39 =	vmul.f32 v40, v26  }
0x1a5: {  	v40 =	vld [tilespmem:s20+$0xFFFFFC00]  }
0x1a6: {  	v38 =	vadd.f32 v39, v38;
	v39 =	vmul.f32 v41, v27  }
0x1a7: {  	v41 =	vld [tilespmem:s20+$0xFFFFFE00]  }
0x1a8: {  	v38 =	vadd.f32 v39, v38;
	v39 =	vmul.f32 v42, v28  }
0x1a9: {  	v42 =	vld [tilespmem:s20+$0x0]  }
0x1aa: {  	v38 =	vadd.f32 v39, v38;
	v39 =	vmul.f32 v40, v29  }
0x1ab: {  	v40 =	vld [tilespmem:s20+$0x200]  }
0x1ac: {  	v38 =	vadd.f32 v39, v38;
	v39 =	vmul.f32 v41, v30  }
0x1ad: {  	v41 =	vld [tilespmem:s20+$0x400]  }
0x1ae: {  	v38 =	vadd.f32 v39, v38;
	v39 =	vmul.f32 v42, v31  }
0x1af: {  	v42 =	vld [tilespmem:s20+$0x600]  }
0x1b0: {  	v38 =	vadd.f32 v39, v38;
	v39 =	vmul.f32 v40, v32  }
0x1b1: {  	v40 =	vld [tilespmem:s20+$0x800]  }
0x1b2: {  	v38 =	vadd.f32 v39, v38;
	v39 =	vmul.f32 v41, v33  }
0x1b3: {  	v41 =	vld [tilespmem:s20+$0xA00]  }
0x1b4: {  	v38 =	vadd.f32 v39, v38;
	v39 =	vmul.f32 v42, v34  }
0x1b5: {  	v42 =	vld [tilespmem:s20+$0xC00]  }
0x1b6: {  	v38 =	vadd.f32 v39, v38;
	v39 =	vmul.f32 v40, v35;
	_ =	sdelay $0x1  }
0x1b7: {  	v38 =	vadd.f32 v39, v38;
	v39 =	vmul.f32 v41, v36;
	_ =	sdelay $0x1  }
0x1b8: {  	v38 =	vadd.f32 v39, v38;
	v39 =	vmul.f32 v42, v37;
	_ =	sdelay $0x1  }
.Ltmp1:
0x1b9: {  	v38 =	vadd.f32 v39, v38;
	(pc) =	sbr.rel @p0 .LBB2_4-.Ltmp1, $4  }
0x1ba: {  	s21 =	sadd.s32 $0x10, s21  }
0x1bb: {  	s22 =	sadd.s32 $0x10, s22;
	[tilespmem:s21+$0x0] =	vst v38  }
0x1bc: {  	v38 =	vld [tilespmem:s22+$0xFFFFF600]  }
0x1bd: {  	s25 =	sadd.s32 $0x10, s25;
	v39 =	vld [tilespmem:s22+$0xFFFFF400]  }
0x1be: {  	_ = 	snop  }
0x1bf: {  	v40 =	vld [tilespmem:s22+$0xFFFFF800];
	_ =	sdelay $0x1  }
0x1c0: {  	v41 =	vld [tilespmem:s22+$0xFFFFFA00]  }
0x1c1: {  	v38 =	vadd.f32 v38, v39  }
0x1c2: {  	v53 =	vld [tilespmem:s22+$0xFFFFFC00]  }
0x1c3: {  	v38 =	vadd.f32 v40, v38  }
0x1c4: {  	v54 =	vld [tilespmem:s22+$0xFFFFFE00]  }
0x1c5: {  	v38 =	vadd.f32 v41, v38  }
0x1c6: {  	v55 =	vld [tilespmem:s22+$0x0]  }
0x1c7: {  	v38 =	vadd.f32 v53, v38  }
0x1c8: {  	v56 =	vld [tilespmem:s22+$0x200]  }
0x1c9: {  	v38 =	vadd.f32 v54, v38  }
0x1ca: {  	v57 =	vld [tilespmem:s22+$0x400]  }
0x1cb: {  	v38 =	vadd.f32 v55, v38  }
0x1cc: {  	v58 =	vld [tilespmem:s22+$0x600]  }
0x1cd: {  	v38 =	vadd.f32 v56, v38  }
0x1ce: {  	v59 =	vld [tilespmem:s22+$0x800]  }
0x1cf: {  	v38 =	vadd.f32 v57, v38  }
0x1d0: {  	v60 =	vld [tilespmem:s22+$0xA00]  }
0x1d1: {  	v38 =	vadd.f32 v58, v38  }
0x1d2: {  	v61 =	vld [tilespmem:s22+$0xC00]  }
0x1d3: {  	s24 =	sand.u32 $0x1F0, s24;
	v38 =	vadd.f32 v59, v38  }
0x1d4: {  	v62 =	vld [tilespmem:s24+$0x4E00]  }
0x1d5: {  	v38 =	vadd.f32 v60, v38  }
0x1d6: {  	v63 =	vld [tilespmem:s24+$0x5000]  }
0x1d7: {  	v38 =	vadd.f32 v61, v38  }
0x1d8: {  	v44 =	vld [tilespmem:s24+$0x5200]  }
0x1d9: {  	v38 =	vadd.f32 v62, v38  }
0x1da: {  	v45 =	vld [tilespmem:s24+$0x5400]  }
0x1db: {  	v38 =	vadd.f32 v63, v38  }
0x1dc: {  	v46 =	vld [tilespmem:s24+$0x5600]  }
0x1dd: {  	v38 =	vadd.f32 v44, v38  }
0x1de: {  	v47 =	vld [tilespmem:s24+$0x5800]  }
0x1df: {  	v38 =	vadd.f32 v45, v38  }
0x1e0: {  	v48 =	vld [tilespmem:s24+$0x5A00]  }
0x1e1: {  	v38 =	vadd.f32 v46, v38  }
0x1e2: {  	v49 =	vld [tilespmem:s24+$0x5C00]  }
0x1e3: {  	v38 =	vadd.f32 v47, v38  }
0x1e4: {  	v50 =	vld [tilespmem:s24+$0x5E00]  }
0x1e5: {  	v38 =	vadd.f32 v48, v38  }
0x1e6: {  	v51 =	vld [tilespmem:s24+$0x6000]  }
0x1e7: {  	v38 =	vadd.f32 v49, v38  }
0x1e8: {  	v52 =	vld [tilespmem:s24+$0x6200]  }
0x1e9: {  	v38 =	vadd.f32 v50, v38  }
0x1ea: {  	s20 =	sadd.s32 $0x10, s20;
	v53 =	vld [tilespmem:s24+$0x6400]  }
0x1eb: {  	v42 =	vld [tilespmem:s20+$0xFFFFF400];
	v38 =	vadd.f32 v51, v38  }
0x1ec: {  	v54 =	vld [tilespmem:s24+$0x6600]  }
0x1ed: {  	v38 =	vadd.f32 v52, v38  }
0x1ee: {  	v55 =	vld [tilespmem:s20+$0xFFFFF600]  }
0x1ef: {  	v38 =	vadd.f32 v53, v38  }
0x1f0: {  	v56 =	vld [tilespmem:s20+$0xFFFFF800]  }
0x1f1: {  	v25 =	vmul.f32 v42, v25;
	v38 =	vadd.f32 v54, v38  }
0x1f2: {  	v57 =	vld [tilespmem:s20+$0xFFFFFA00]  }
0x1f3: {  	v26 =	vmul.f32 v55, v26;
	v25 =	vadd.f32 v25, v38  }
0x1f4: {  	v58 =	vld [tilespmem:s20+$0xFFFFFC00]  }
0x1f5: {  	v25 =	vadd.f32 v26, v25;
	v26 =	vmul.f32 v56, v27  }
0x1f6: {  	v27 =	vld [tilespmem:s20+$0xFFFFFE00]  }
0x1f7: {  	v25 =	vadd.f32 v26, v25;
	v26 =	vmul.f32 v57, v28  }
0x1f8: {  	v59 =	vld [tilespmem:s20+$0x0]  }
0x1f9: {  	v25 =	vadd.f32 v26, v25;
	v26 =	vmul.f32 v58, v29  }
0x1fa: {  	v60 =	vld [tilespmem:s20+$0x200]  }
0x1fb: {  	v25 =	vadd.f32 v26, v25;
	v26 =	vmul.f32 v27, v30  }
0x1fc: {  	v27 =	vld [tilespmem:s20+$0x400]  }
0x1fd: {  	v25 =	vadd.f32 v26, v25;
	v26 =	vmul.f32 v59, v31  }
0x1fe: {  	v61 =	vld [tilespmem:s20+$0x600]  }
0x1ff: {  	v25 =	vadd.f32 v26, v25;
	v26 =	vmul.f32 v60, v32  }
0x200: {  	v62 =	vld [tilespmem:s20+$0x800]  }
0x201: {  	v25 =	vadd.f32 v26, v25;
	v26 =	vmul.f32 v27, v33  }
0x202: {  	v27 =	vld [tilespmem:s20+$0xA00]  }
0x203: {  	v25 =	vadd.f32 v26, v25;
	v26 =	vmul.f32 v61, v34  }
0x204: {  	v63 =	vld [tilespmem:s20+$0xC00]  }
0x205: {  	v25 =	vadd.f32 v26, v25;
	v26 =	vmul.f32 v62, v35;
	_ =	sdelay $0x1  }
0x206: {  	v25 =	vadd.f32 v26, v25;
	v26 =	vmul.f32 v27, v36;
	_ =	sdelay $0x1  }
0x207: {  	v25 =	vadd.f32 v26, v25;
	v26 =	vmul.f32 v63, v37;
	_ =	sdelay $0x1  }
0x208: {  	s19 =	sadd.s32 $0x1, s19;
	v25 =	vadd.f32 v26, v25  }
0x209: {  	s25 =	sadd.s32 $0x10, s21;
	p0 =	sne.s32 s19, s0  }
.Ltmp2:
0x20a: {  	s26 =	simm.s32 $0x8280;
	[tilespmem:s25+$0x0] =	vst v25;
	(pc) =	sbr.rel @p0 .LBB2_1-.Ltmp2, $4  }
0x20b: {  	[hbm4b:s30+s1] =	stream.linear.scatter [tilespmem:s26], [sflag:$0x3], $0x200, $0x38;
	[tilespmem:$0x8480] =	vst v63  }
0x20c: {  	_ =	swait.ge [sflag:s18], $0x200  }
0x20d: {  	[sflag:s18] =	ssyncset.done $0x0  }
0x20e: {  	[sflag:s18] =	ssyncadd.s32 $0xFFFFFE00  }
0x20f: {  	_ =	sfence.sel $0x180000  }
0x210: {  	[bflag:$0x0] =	sbarrier.arrive $0xFFFF  }
0x211: {  	_ =	strace $0x90000047  }
0x212: {  	s0 =	stileid.u32;
	[bflag:$0x2] =	sbarrier.arrive $0xFFFF  }
0x213: {  	p0 =	sne.s32 s0, $0x0;
	s0 =	rddreg [dreg:$0x2]  }
0x214: {  	s0 =	sadd.s32 @!p0 $0x100000, s0  }
0x215: {  	[sflag:s0] =	ssyncadd.tile.s32 @!p0 $0x1;
	_ =	shalt  }
.Lfunc_end2:
_tile_overlayer_lowered:
.L_overlay_start_2:
0x216: {  	(tag) =	ssettag $0x2  }
0x217: {  	s0 =	rddreg [dreg:$0x0];
	s2 =	stileid.u32  }
0x218: {  	s1 =	rddreg [dreg:$0x1];
	p0 =	sne.s32 s2, $0x0  }
0x219: {  	s3 =	rddreg [dreg:$0x2];
	[bflag:$0x3] =	sbarrier.arrive $0xFFFF;
	s2 =	simm.s32 @!p0 $0x1C03  }
0x21a: {  	[timem:s3], [sflag:s2] =	dma.local @!p0 [hbm:s0], s1  }
0x21b: {  	s0 =	simm.s32 @!p0 $0x3  }
0x21c: {  	_ =	swait.ge @!p0 [sflag:s0], s1  }
0x21d: {  	s1 =	ssub.s32 @!p0 $0x0, s1;
	[sflag:s0] =	ssyncset.done @!p0 $0x0  }
0x21e: {  	[sflag:s0] =	ssyncadd.s32 @!p0 s1  }
0x21f: {  	[bflag:$0x3] =	sbarrier.arrive $0xFFFF  }
0x220: {  	_ =	shalt  }

</sc_bundles>
